<compile_context>
chip_gen: v7x
topology: tpu7x:2x2x1
jax: 0.10.2.dev20260603
libtpu: 0.0.44.dev20260713+nightly
codegen_flags: <defaults>
</compile_context>

<pallas_src>
import functools

import jax
import jax.numpy as jnp
from jax import lax
from jax.experimental import pallas as pl
from jax.experimental.pallas import tpu as pltpu
from jax.experimental.pallas import tpu_sc as plsc

_NC = 2
_NS = 16
_NW = _NC * _NS
_CH = 128


def _rup(a, b):
    return (a + b - 1) // b * b




@functools.lru_cache(maxsize=None)
def _make_deg_kernel(NP, EWr):
    mesh = plsc.VectorSubcoreMesh(core_axis_name="c", subcore_axis_name="s")

    @functools.partial(
        pl.kernel,
        out_type=jax.ShapeDtypeStruct((_NW, NP), jnp.float32),
        mesh=mesh,
        compiler_params=pltpu.CompilerParams(needs_layout_passes=False),
        scratch_types=[
            pltpu.VMEM((EWr,), jnp.int32),
            pltpu.VMEM((NP,), jnp.float32),
        ],
    )
    def kdeg(dst_hbm, zfull_hbm, out_hbm, dst_all, deg_v):
        c = lax.axis_index("c")
        s = lax.axis_index("s")
        wid = s * _NC + c
        ones = jnp.ones((16,), jnp.float32)
        pltpu.sync_copy(zfull_hbm, deg_v)
        pltpu.sync_copy(dst_hbm.at[pl.ds(wid * EWr, EWr)], dst_all)

        def body(i, carry):
            idx = dst_all[pl.ds(i * 16, 16)]
            plsc.addupdate_scatter(deg_v, [idx], ones)
            return carry

        lax.fori_loop(0, EWr // 16, body, 0)
        pltpu.sync_copy(deg_v, out_hbm.at[wid])

    return kdeg


@functools.lru_cache(maxsize=None)
def _make_edge_scatter_kernel(NP, Hd, EWr):
    RT = NP // _NS
    NFULL = EWr // _CH
    NPIPE = NFULL // 2 * 2
    REM = EWr - NPIPE * _CH
    mesh = plsc.VectorSubcoreMesh(core_axis_name="c", subcore_axis_name="s")

    scratch = [
        pltpu.VMEM((EWr,), jnp.int32),
        pltpu.VMEM((_CH,), jnp.int32),
        pltpu.VMEM((_CH,), jnp.int32),
        pltpu.VMEM((_CH, Hd), jnp.float32),
        pltpu.VMEM((_CH, Hd), jnp.float32),
        pltpu.VMEM((max(REM, 8),), jnp.int32),
        pltpu.VMEM((max(REM, 8), Hd), jnp.float32),
        pltpu.VMEM_SHARED((NP, Hd), jnp.float32),
        pltpu.SemaphoreType.DMA,
        pltpu.SemaphoreType.DMA,
        pltpu.SemaphoreType.DMA,
        pltpu.SemaphoreType.DMA,
        pltpu.SemaphoreType.DMA,
        pltpu.SemaphoreType.DMA,
    ]

    @functools.partial(
        pl.kernel,
        out_type=jax.ShapeDtypeStruct((_NC, NP, Hd), jnp.float32),
        mesh=mesh,
        scratch_types=scratch,
    )
    def kscat(hs_hbm, src_hbm, dst_hbm, zrow_hbm, out_hbm,
              src_all, dst0, dst1, rows0, rows1, dstr_v, rowsr_v, acc_sh,
              sem_d0, sem_d1, sem_g0, sem_g1, sem_s0, sem_s1):
        c = lax.axis_index("c")
        s = lax.axis_index("s")
        wid = s * _NC + c
        base = wid * EWr
        dsts = (dst0, dst1)
        rows = (rows0, rows1)
        sem_d = (sem_d0, sem_d1)
        sem_g = (sem_g0, sem_g1)
        sem_s = (sem_s0, sem_s1)
        pltpu.sync_copy(zrow_hbm, acc_sh.at[pl.ds(s * RT, RT)])
        pltpu.sync_copy(src_hbm.at[pl.ds(base, EWr)], src_all)
        plsc.subcore_barrier()

        def prefetch(S, j):
            pltpu.async_copy(dst_hbm.at[pl.ds(base + j * _CH, _CH)],
                             dsts[S], sem_d[S])
            pltpu.async_copy(hs_hbm.at[src_all.at[pl.ds(j * _CH, _CH)]],
                             rows[S], sem_g[S])

        if NPIPE > 0:
            prefetch(0, 0)

            def pair_body(p, carry):
                for S in (0, 1):
                    j = 2 * p + S
                    SN = 1 - S

                    @pl.when(j + 1 < NPIPE)
                    def _():
                        @pl.when(j >= 1)
                        def _():
                            pltpu.make_async_copy(
                                rows[SN], acc_sh.at[dsts[SN]],
                                sem_s[SN]).wait()
                        prefetch(SN, j + 1)

                    pltpu.make_async_copy(
                        dst_hbm.at[pl.ds(base + j * _CH, _CH)], dsts[S],
                        sem_d[S]).wait()
                    pltpu.make_async_copy(
                        hs_hbm.at[src_all.at[pl.ds(j * _CH, _CH)]], rows[S],
                        sem_g[S]).wait()
                    pltpu.async_copy(rows[S], acc_sh.at[dsts[S]], sem_s[S],
                                     add=True)
                return carry

            lax.fori_loop(0, NPIPE // 2, pair_body, 0)
            for S in (0, 1):
                pltpu.make_async_copy(rows[S], acc_sh.at[dsts[S]],
                                      sem_s[S]).wait()
        if REM > 0:
            off = NPIPE * _CH
            pltpu.sync_copy(dst_hbm.at[pl.ds(base + off, REM)], dstr_v)
            pltpu.async_copy(hs_hbm.at[src_all.at[pl.ds(off, REM)]],
                             rowsr_v, sem_g0).wait()
            pltpu.sync_copy(rowsr_v, acc_sh.at[dstr_v], add=True)
        plsc.subcore_barrier()
        pltpu.sync_copy(acc_sh.at[pl.ds(s * RT, RT)],
                        out_hbm.at[c, pl.ds(s * RT, RT)])

    return kscat




def _prep_body(x_ref, w1_ref, degp_ref, hs_ref, dinv_ref):
    x = x_ref[...]
    rowsum = jnp.sum(x, axis=1, keepdims=True)
    rinv = jnp.where(rowsum != 0.0, 1.0 / rowsum, 0.0)
    xn = x * rinv
    deg = jnp.sum(degp_ref[...], axis=0)[:, None] + 1.0
    dinv = lax.rsqrt(deg)
    h = jnp.dot(xn, w1_ref[...], preferred_element_type=jnp.float32)
    hs_ref[...] = h * dinv
    dinv_ref[...] = dinv


def _mid_body(accp_ref, hs_ref, dinv_ref, b_ref, w2_ref, hs2_ref):
    dinv = dinv_ref[...]
    out1 = (accp_ref[0] + accp_ref[1] + hs_ref[...]) * dinv + b_ref[...]
    h1 = jnp.maximum(out1, 0.0)
    h2 = jnp.dot(h1, w2_ref[...], preferred_element_type=jnp.float32)
    hs2_ref[...] = h2 * dinv


def _fin_body(accp_ref, hs_ref, dinv_ref, b_ref, out_ref):
    out_ref[...] = ((accp_ref[0] + accp_ref[1] + hs_ref[...]) * dinv_ref[...]
                    + b_ref[...])




def kernel(x, edge_index, W1, b1, W2, b2, group):
    N, D = x.shape
    H = W1.shape[1]
    E = edge_index.shape[1]

    NP = _rup(N + 1, _NS * 8)
    EWr = _rup(-(-E // _NW), 16)
    EP = EWr * _NW
    srcf = edge_index[0]
    dstf = edge_index[1]
    if EP > E:
        pad_idx = N + jnp.arange(EP - E, dtype=jnp.int32) % (NP - N)
        srcf = jnp.concatenate([srcf, pad_idx])
        dstf = jnp.concatenate([dstf, pad_idx])

    xpad = jnp.zeros((NP, D), jnp.float32).at[:N].set(x)
    RT = NP // _NS
    zflat = jnp.zeros((NP,), jnp.float32)
    zrowH = jnp.zeros((RT, H), jnp.float32)
    b1r = b1.reshape(1, H)
    b2r = b2.reshape(1, H)

    degp = _make_deg_kernel(NP, EWr)(dstf, zflat)

    hs1, dinv = pl.pallas_call(
        _prep_body,
        out_shape=(
            jax.ShapeDtypeStruct((NP, H), jnp.float32),
            jax.ShapeDtypeStruct((NP, 1), jnp.float32),
        ),
    )(xpad, W1, degp)

    edge_scatter = _make_edge_scatter_kernel(NP, H, EWr)
    acc1 = edge_scatter(hs1, srcf, dstf, zrowH)

    hs2 = pl.pallas_call(
        _mid_body,
        out_shape=jax.ShapeDtypeStruct((NP, H), jnp.float32),
    )(acc1, hs1, dinv, b1r, W2)

    acc2 = edge_scatter(hs2, srcf, dstf, zrowH)

    out = pl.pallas_call(
        _fin_body,
        out_shape=jax.ShapeDtypeStruct((NP, H), jnp.float32),
    )(acc2, hs2, dinv, b2r)

    return out[:N]

# --- scband reference (transcript-rebuilt; emitter-appended) ---
"""Pipeline reference for scband-moralmulti-class-41308995452997 (READ-ONLY COPY).

The authoritative reference and input builder live on the scoring server;
editing this copy changes nothing except your own understanding.
"""

import jax, jax.numpy as jnp
import numpy as np

N = 10000
E = 320000
D = 128
H = 128


def setup_inputs(seed: int = 0) -> dict:
    key = jax.random.key(seed)
    k1, k2, k3, k4 = jax.random.split(key, 4)
    x = jax.random.normal(k1, (N, D), dtype=jnp.float32)
    edge_index = jax.random.randint(k2, (2, E), 0, N, dtype=jnp.int32)
    # Learned parameters for the group-0 GCN encoder (num_hidden=128, 2 layers)
    W1 = jax.random.normal(k3, (D, H), dtype=jnp.float32) * 0.05
    b1 = jnp.zeros((H,), dtype=jnp.float32)
    W2 = jax.random.normal(k4, (H, H), dtype=jnp.float32) * 0.05
    b2 = jnp.zeros((H,), dtype=jnp.float32)
    return {"x": x, "edge_index": edge_index, "W1": W1, "b1": b1, "W2": W2, "b2": b2, "group": 0}


def _gcn_layer(h, src, dst, norm, W, b, n_nodes):
    h = h @ W
    msg = h[src] * norm[:, None]
    out = jnp.zeros((n_nodes, h.shape[1]), dtype=h.dtype).at[dst].add(msg)
    return out + b


def reference(x, edge_index, W1, b1, W2, b2, group):
    n_nodes = x.shape[0]
    # normalize_features: row-normalize the feature matrix
    rowsum = jnp.sum(x, axis=1, keepdims=True)
    r_inv = jnp.where(rowsum != 0, 1.0 / rowsum, 0.0)
    x = x * r_inv
    # GCN message passing with self-loops and symmetric normalization
    loop = jnp.arange(n_nodes, dtype=edge_index.dtype)
    src = jnp.concatenate([edge_index[0], loop])
    dst = jnp.concatenate([edge_index[1], loop])
    deg = jnp.zeros((n_nodes,), dtype=jnp.float32).at[dst].add(1.0)
    dinv = jnp.where(deg > 0, jax.lax.rsqrt(deg), 0.0)
    norm = dinv[src] * dinv[dst]
    # layer 1 + ReLU
    h = _gcn_layer(x, src, dst, norm, W1, b1, n_nodes)
    h = jax.nn.relu(h)
    # layer 2 (output embeddings for the selected group's encoder)
    out = _gcn_layer(h, src, dst, norm, W2, b2, n_nodes)
    return out

if __name__ == "__main__":
    import jax
    _d = setup_inputs()
    print(jax.jit(kernel)(*tuple(_d.values())))

</pallas_src>

<mosaic_0001>
#map = affine_map<(d0, d1) -> (0)>
#map1 = affine_map<(d0, d1) -> (0, 0)>
module attributes {stable_mosaic.version = 14 : i64} {
  func.func @kdeg(%arg0: i32, %arg1: i32, %arg2: memref<320000xi32, #tpu.memory_space<hbm>>, %arg3: memref<10112xf32, #tpu.memory_space<hbm>>, %arg4: memref<32x10112xf32, #tpu.memory_space<hbm>>, %arg5: memref<10000xi32, #tpu.memory_space<vmem>>, %arg6: memref<10112xf32, #tpu.memory_space<vmem>>) attributes {dimension_semantics = [#tpu.dimension_semantics<core_parallel>, #tpu.dimension_semantics<subcore_parallel>], iteration_bounds = array<i64: 2, 16>, scalar_prefetch = 0 : i64, scratch_operands = 2 : i64, tpu.core_type = #tpu.core_type<sc_vector_subcore>, window_params = [{transform_indices = #map}, {transform_indices = #map}, {transform_indices = #map1}]} {
    %mul3A = arith.constant 2 : i32
    %mul3A_0 = arith.muli %arg1, %mul3A : i32
    %add3A = arith.addi %mul3A_0, %arg0 : i32
    %broadcast_in_dim3A = arith.constant 1.000000e+00 : f32
    %broadcast_in_dim3A_1 = vector.broadcast %broadcast_in_dim3A : f32 to vector<16xf32>
    "tpu.region"() ({
      %run_scoped3A = tpu.sem_alloc : memref<!tpu.dma_semaphore, #tpu.memory_space<semaphore_mem>>
      tpu.enqueue_dma source(%arg3 : memref<10112xf32, #tpu.memory_space<hbm>>) target(%arg6 : memref<10112xf32, #tpu.memory_space<vmem>>) target_semaphore(%run_scoped3A : memref<!tpu.dma_semaphore, #tpu.memory_space<semaphore_mem>>)
      tpu.wait_dma2 semaphore(%run_scoped3A : memref<!tpu.dma_semaphore, #tpu.memory_space<semaphore_mem>>) src(%arg3 : memref<10112xf32, #tpu.memory_space<hbm>>) dst(%arg6 : memref<10112xf32, #tpu.memory_space<vmem>>)
      tpu.yield
    }) : () -> ()
    %mul3A_2 = arith.constant 10000 : i32
    %mul3A_3 = arith.muli %add3A, %mul3A_2 : i32
    "tpu.region"() ({
      %run_scoped3A = tpu.sem_alloc : memref<!tpu.dma_semaphore, #tpu.memory_space<semaphore_mem>>
      %dma_start3A = tpu.memref_slice %arg2[%mul3A_3] : memref<320000xi32, #tpu.memory_space<hbm>> -> memref<10000xi32, #tpu.memory_space<hbm>>
      %dma_start3A_9 = tpu.memref_slice %arg2[%mul3A_3] : memref<320000xi32, #tpu.memory_space<hbm>> -> memref<10000xi32, #tpu.memory_space<hbm>>
      tpu.enqueue_dma source(%dma_start3A_9 : memref<10000xi32, #tpu.memory_space<hbm>>) target(%arg5 : memref<10000xi32, #tpu.memory_space<vmem>>) target_semaphore(%run_scoped3A : memref<!tpu.dma_semaphore, #tpu.memory_space<semaphore_mem>>)
      %dma_wait3A = tpu.memref_slice %arg2[%mul3A_3] : memref<320000xi32, #tpu.memory_space<hbm>> -> memref<10000xi32, #tpu.memory_space<hbm>>
      %dma_wait3A_10 = tpu.memref_slice %arg2[%mul3A_3] : memref<320000xi32, #tpu.memory_space<hbm>> -> memref<10000xi32, #tpu.memory_space<hbm>>
      tpu.wait_dma2 semaphore(%run_scoped3A : memref<!tpu.dma_semaphore, #tpu.memory_space<semaphore_mem>>) src(%dma_wait3A_10 : memref<10000xi32, #tpu.memory_space<hbm>>) dst(%arg5 : memref<10000xi32, #tpu.memory_space<vmem>>)
      tpu.yield
    }) : () -> ()
    %scan3A = arith.constant 0 : i32
    %scan3A_4 = arith.constant 0 : i32
    %scan3A_5 = arith.constant 625 : i32
    %scan3A_6 = arith.addi %scan3A_4, %scan3A_5 : i32
    %scan3A_7 = arith.constant 1 : i32
    scf.for %scan3A_9 = %scan3A_4 to %scan3A_6 step %scan3A_7  : i32 {
      %mul3A_10 = arith.constant 16 : i32
      %mul3A_11 = arith.muli %scan3A_9, %mul3A_10 : i32
      %get3A = arith.index_cast %mul3A_11 : i32 to index
      %get3A_12 = tpu.vector_load %arg5[%get3A] {strides = array<i32>} : memref<10000xi32, #tpu.memory_space<vmem>>, vector<16xi32>,
      tpu.vector_store_idx %arg6[%get3A_12], %broadcast_in_dim3A_1 {add = true} : memref<10112xf32, #tpu.memory_space<vmem>>[vector<16xi32>], vector<16xf32>,
    }
    %scan3A_8 = arith.constant 625 : i32
    "tpu.region"() ({
      %run_scoped3A = tpu.sem_alloc : memref<!tpu.dma_semaphore, #tpu.memory_space<semaphore_mem>>
      %dma_start3A = arith.constant 0 : i32
      %dma_start3A_9 = tpu.memref_slice %arg4[%add3A, %dma_start3A] : memref<32x10112xf32, #tpu.memory_space<hbm>> -> memref<1x10112xf32, #tpu.memory_space<hbm>>
      %dma_start3A_10 = tpu.memref_squeeze %dma_start3A_9 : memref<1x10112xf32, #tpu.memory_space<hbm>> -> memref<10112xf32, #tpu.memory_space<hbm>>
      %dma_start3A_11 = arith.constant 0 : i32
      %dma_start3A_12 = tpu.memref_slice %arg4[%add3A, %dma_start3A_11] : memref<32x10112xf32, #tpu.memory_space<hbm>> -> memref<1x10112xf32, #tpu.memory_space<hbm>>
      %dma_start3A_13 = tpu.memref_squeeze %dma_start3A_12 : memref<1x10112xf32, #tpu.memory_space<hbm>> -> memref<10112xf32, #tpu.memory_space<hbm>>
      tpu.enqueue_dma source(%arg6 : memref<10112xf32, #tpu.memory_space<vmem>>) target(%dma_start3A_13 : memref<10112xf32, #tpu.memory_space<hbm>>) target_semaphore(%run_scoped3A : memref<!tpu.dma_semaphore, #tpu.memory_space<semaphore_mem>>)
      %dma_wait3A = arith.constant 0 : i32
      %dma_wait3A_14 = tpu.memref_slice %arg4[%add3A, %dma_wait3A] : memref<32x10112xf32, #tpu.memory_space<hbm>> -> memref<1x10112xf32, #tpu.memory_space<hbm>>
      %dma_wait3A_15 = tpu.memref_squeeze %dma_wait3A_14 : memref<1x10112xf32, #tpu.memory_space<hbm>> -> memref<10112xf32, #tpu.memory_space<hbm>>
      %dma_wait3A_16 = arith.constant 0 : i32
      %dma_wait3A_17 = tpu.memref_slice %arg4[%add3A, %dma_wait3A_16] : memref<32x10112xf32, #tpu.memory_space<hbm>> -> memref<1x10112xf32, #tpu.memory_space<hbm>>
      %dma_wait3A_18 = tpu.memref_squeeze %dma_wait3A_17 : memref<1x10112xf32, #tpu.memory_space<hbm>> -> memref<10112xf32, #tpu.memory_space<hbm>>
      tpu.wait_dma2 semaphore(%run_scoped3A : memref<!tpu.dma_semaphore, #tpu.memory_space<semaphore_mem>>) src(%arg6 : memref<10112xf32, #tpu.memory_space<vmem>>) dst(%dma_wait3A_18 : memref<10112xf32, #tpu.memory_space<hbm>>)
      tpu.yield
    }) : () -> ()
    return
  }
}

#map = affine_map<(d0, d1) -> (0, 0)>
#map1 = affine_map<(d0, d1) -> (0)>
#map2 = affine_map<(d0, d1) -> (0, 0, 0)>
module attributes {stable_mosaic.version = 14 : i64} {
  func.func @kscat(%arg0: i32, %arg1: i32, %arg2: memref<10112x128xf32, #tpu.memory_space<hbm>>, %arg3: memref<320000xi32, #tpu.memory_space<hbm>>, %arg4: memref<320000xi32, #tpu.memory_space<hbm>>, %arg5: memref<632x128xf32, #tpu.memory_space<hbm>>, %arg6: memref<2x10112x128xf32, #tpu.memory_space<hbm>>, %arg7: memref<10000xi32, #tpu.memory_space<vmem>>, %arg8: memref<128xi32, #tpu.memory_space<vmem>>, %arg9: memref<128xi32, #tpu.memory_space<vmem>>, %arg10: memref<128x128xf32, #tpu.memory_space<vmem>>, %arg11: memref<128x128xf32, #tpu.memory_space<vmem>>, %arg12: memref<16xi32, #tpu.memory_space<vmem>>, %arg13: memref<16x128xf32, #tpu.memory_space<vmem>>, %arg14: memref<10112x128xf32, #tpu.memory_space<vmem_shared>>, %arg15: memref<!tpu.dma_semaphore, #tpu.memory_space<semaphore_mem>>, %arg16: memref<!tpu.dma_semaphore, #tpu.memory_space<semaphore_mem>>, %arg17: memref<!tpu.dma_semaphore, #tpu.memory_space<semaphore_mem>>, %arg18: memref<!tpu.dma_semaphore, #tpu.memory_space<semaphore_mem>>, %arg19: memref<!tpu.dma_semaphore, #tpu.memory_space<semaphore_mem>>, %arg20: memref<!tpu.dma_semaphore, #tpu.memory_space<semaphore_mem>>) attributes {dimension_semantics = [#tpu.dimension_semantics<core_parallel>, #tpu.dimension_semantics<subcore_parallel>], iteration_bounds = array<i64: 2, 16>, scalar_prefetch = 0 : i64, scratch_operands = 14 : i64, tpu.core_type = #tpu.core_type<sc_vector_subcore>, window_params = [{transform_indices = #map}, {transform_indices = #map1}, {transform_indices = #map1}, {transform_indices = #map}, {transform_indices = #map2}]} {
    %mul3A = arith.constant 2 : i32
    %mul3A_0 = arith.muli %arg1, %mul3A : i32
    %add3A = arith.addi %mul3A_0, %arg0 : i32
    %mul3A_1 = arith.constant 10000 : i32
    %mul3A_2 = arith.muli %add3A, %mul3A_1 : i32
    %mul3A_3 = arith.constant 632 : i32
    %mul3A_4 = arith.muli %arg1, %mul3A_3 : i32
    "tpu.region"() ({
      %run_scoped3A = tpu.sem_alloc : memref<!tpu.dma_semaphore, #tpu.memory_space<semaphore_mem>>
      %dma_start3A_40 = arith.constant 0 : i32
      %dma_start3A_41 = tpu.memref_slice %arg14[%mul3A_4, %dma_start3A_40] : memref<10112x128xf32, #tpu.memory_space<vmem_shared>> -> memref<632x128xf32, #tpu.memory_space<vmem_shared>>
      tpu.enqueue_dma source(%arg5 : memref<632x128xf32, #tpu.memory_space<hbm>>) target(%dma_start3A_41 : memref<632x128xf32, #tpu.memory_space<vmem_shared>>) target_semaphore(%run_scoped3A : memref<!tpu.dma_semaphore, #tpu.memory_space<semaphore_mem>>)
      %dma_wait3A_42 = arith.constant 0 : i32
      %dma_wait3A_43 = tpu.memref_slice %arg14[%mul3A_4, %dma_wait3A_42] : memref<10112x128xf32, #tpu.memory_space<vmem_shared>> -> memref<632x128xf32, #tpu.memory_space<vmem_shared>>
      tpu.wait_dma2 semaphore(%run_scoped3A : memref<!tpu.dma_semaphore, #tpu.memory_space<semaphore_mem>>) src(%arg5 : memref<632x128xf32, #tpu.memory_space<hbm>>) dst(%dma_wait3A_43 : memref<632x128xf32, #tpu.memory_space<vmem_shared>>)
      tpu.yield
    }) : () -> ()
    "tpu.region"() ({
      %run_scoped3A = tpu.sem_alloc : memref<!tpu.dma_semaphore, #tpu.memory_space<semaphore_mem>>
      %dma_start3A_40 = tpu.memref_slice %arg3[%mul3A_2] : memref<320000xi32, #tpu.memory_space<hbm>> -> memref<10000xi32, #tpu.memory_space<hbm>>
      %dma_start3A_41 = tpu.memref_slice %arg3[%mul3A_2] : memref<320000xi32, #tpu.memory_space<hbm>> -> memref<10000xi32, #tpu.memory_space<hbm>>
      tpu.enqueue_dma source(%dma_start3A_41 : memref<10000xi32, #tpu.memory_space<hbm>>) target(%arg7 : memref<10000xi32, #tpu.memory_space<vmem>>) target_semaphore(%run_scoped3A : memref<!tpu.dma_semaphore, #tpu.memory_space<semaphore_mem>>)
      %dma_wait3A_42 = tpu.memref_slice %arg3[%mul3A_2] : memref<320000xi32, #tpu.memory_space<hbm>> -> memref<10000xi32, #tpu.memory_space<hbm>>
      %dma_wait3A_43 = tpu.memref_slice %arg3[%mul3A_2] : memref<320000xi32, #tpu.memory_space<hbm>> -> memref<10000xi32, #tpu.memory_space<hbm>>
      tpu.wait_dma2 semaphore(%run_scoped3A : memref<!tpu.dma_semaphore, #tpu.memory_space<semaphore_mem>>) src(%dma_wait3A_43 : memref<10000xi32, #tpu.memory_space<hbm>>) dst(%arg7 : memref<10000xi32, #tpu.memory_space<vmem>>)
      tpu.yield
    }) : () -> ()
    %barrier3A = arith.constant 0 : index
    tpu.barrier barrier_id(%barrier3A)
    %add3A_5 = arith.constant 0 : i32
    %add3A_6 = arith.addi %mul3A_2, %add3A_5 : i32
    %dma_start3A = tpu.memref_slice %arg4[%add3A_6] : memref<320000xi32, #tpu.memory_space<hbm>> -> memref<128xi32, #tpu.memory_space<hbm>>
    %dma_start3A_7 = tpu.memref_slice %arg4[%add3A_6] : memref<320000xi32, #tpu.memory_space<hbm>> -> memref<128xi32, #tpu.memory_space<hbm>>
    tpu.enqueue_dma source(%dma_start3A_7 : memref<128xi32, #tpu.memory_space<hbm>>) target(%arg8 : memref<128xi32, #tpu.memory_space<vmem>>) target_semaphore(%arg15 : memref<!tpu.dma_semaphore, #tpu.memory_space<semaphore_mem>>)
    %dma_start3A_8 = arith.constant 0 : i32
    %dma_start3A_9 = tpu.memref_slice %arg7[%dma_start3A_8] : memref<10000xi32, #tpu.memory_space<vmem>> -> memref<128xi32, #tpu.memory_space<vmem>>
    %dma_start3A_10 = arith.constant 0 : i32
    %dma_start3A_11 = arith.constant 0 : i32
    %dma_start3A_12 = tpu.memref_slice %arg2[%dma_start3A_10, %dma_start3A_11] : memref<10112x128xf32, #tpu.memory_space<hbm>> -> memref<10112x128xf32, #tpu.memory_space<hbm>>
    tpu.enqueue_indirect_dma source(%dma_start3A_12 : memref<10112x128xf32, #tpu.memory_space<hbm>>) target(%arg10 : memref<128x128xf32, #tpu.memory_space<vmem>>) offsets(%dma_start3A_9 : memref<128xi32, #tpu.memory_space<vmem>>) semaphore(%arg17 : memref<!tpu.dma_semaphore, #tpu.memory_space<semaphore_mem>>)
    %scan3A = arith.constant 0 : i32
    %scan3A_13 = arith.constant 0 : i32
    %scan3A_14 = arith.constant 39 : i32
    %scan3A_15 = arith.addi %scan3A_13, %scan3A_14 : i32
    %scan3A_16 = arith.constant 1 : i32
    scf.for %scan3A_40 = %scan3A_13 to %scan3A_15 step %scan3A_16  : i32 {
      %mul3A_41 = arith.constant 2 : i32
      %mul3A_42 = arith.muli %mul3A_41, %scan3A_40 : i32
      %add3A_43 = arith.constant 0 : i32
      %add3A_44 = arith.addi %mul3A_42, %add3A_43 : i32
      %add3A_45 = arith.constant 1 : i32
      %add3A_46 = arith.addi %add3A_44, %add3A_45 : i32
      %lt3A = arith.constant 78 : i32
      %lt3A_47 = arith.cmpi slt, %add3A_46, %lt3A : i32
      %convert_element_type3A = arith.extui %lt3A_47 : i1 to i32
      %cond3A = arith.constant 0 : i32
      %cond3A_48 = arith.cmpi ne, %convert_element_type3A, %cond3A : i32
      scf.if %cond3A_48 {
        %ge3A = arith.constant 1 : i32
        %ge3A_88 = arith.cmpi sge, %add3A_44, %ge3A : i32
        %convert_element_type3A_89 = arith.extui %ge3A_88 : i1 to i32
        %cond3A_90 = arith.constant 0 : i32
        %cond3A_91 = arith.cmpi ne, %convert_element_type3A_89, %cond3A_90 : i32
        scf.if %cond3A_91 {
          %dma_wait3A_105 = arith.constant 0 : i32
          %dma_wait3A_106 = arith.constant 0 : i32
          %dma_wait3A_107 = tpu.memref_slice %arg14[%dma_wait3A_105, %dma_wait3A_106] : memref<10112x128xf32, #tpu.memory_space<vmem_shared>> -> memref<10112x128xf32, #tpu.memory_space<vmem_shared>>
          tpu.wait_indirect_dma semaphore(%arg20 : memref<!tpu.dma_semaphore, #tpu.memory_space<semaphore_mem>>) src(%arg11 : memref<128x128xf32, #tpu.memory_space<vmem>>) dst(%dma_wait3A_107 : memref<10112x128xf32, #tpu.memory_space<vmem_shared>>)
        } else {
        }
        %add3A_92 = arith.constant 1 : i32
        %add3A_93 = arith.addi %add3A_44, %add3A_92 : i32
        %mul3A_94 = arith.constant 128 : i32
        %mul3A_95 = arith.muli %add3A_93, %mul3A_94 : i32
        %add3A_96 = arith.addi %mul3A_2, %mul3A_95 : i32
        %dma_start3A_97 = tpu.memref_slice %arg4[%add3A_96] : memref<320000xi32, #tpu.memory_space<hbm>> -> memref<128xi32, #tpu.memory_space<hbm>>
        %dma_start3A_98 = tpu.memref_slice %arg4[%add3A_96] : memref<320000xi32, #tpu.memory_space<hbm>> -> memref<128xi32, #tpu.memory_space<hbm>>
        tpu.enqueue_dma source(%dma_start3A_98 : memref<128xi32, #tpu.memory_space<hbm>>) target(%arg9 : memref<128xi32, #tpu.memory_space<vmem>>) target_semaphore(%arg16 : memref<!tpu.dma_semaphore, #tpu.memory_space<semaphore_mem>>)
        %mul3A_99 = arith.constant 128 : i32
        %mul3A_100 = arith.muli %add3A_93, %mul3A_99 : i32
        %dma_start3A_101 = tpu.memref_slice %arg7[%mul3A_100] : memref<10000xi32, #tpu.memory_space<vmem>> -> memref<128xi32, #tpu.memory_space<vmem>>
        %dma_start3A_102 = arith.constant 0 : i32
        %dma_start3A_103 = arith.constant 0 : i32
        %dma_start3A_104 = tpu.memref_slice %arg2[%dma_start3A_102, %dma_start3A_103] : memref<10112x128xf32, #tpu.memory_space<hbm>> -> memref<10112x128xf32, #tpu.memory_space<hbm>>
        tpu.enqueue_indirect_dma source(%dma_start3A_104 : memref<10112x128xf32, #tpu.memory_space<hbm>>) target(%arg11 : memref<128x128xf32, #tpu.memory_space<vmem>>) offsets(%dma_start3A_101 : memref<128xi32, #tpu.memory_space<vmem>>) semaphore(%arg18 : memref<!tpu.dma_semaphore, #tpu.memory_space<semaphore_mem>>)
      } else {
      }
      %mul3A_49 = arith.constant 128 : i32
      %mul3A_50 = arith.muli %add3A_44, %mul3A_49 : i32
      %add3A_51 = arith.addi %mul3A_2, %mul3A_50 : i32
      %dma_wait3A_52 = tpu.memref_slice %arg4[%add3A_51] : memref<320000xi32, #tpu.memory_space<hbm>> -> memref<128xi32, #tpu.memory_space<hbm>>
      %dma_wait3A_53 = tpu.memref_slice %arg4[%add3A_51] : memref<320000xi32, #tpu.memory_space<hbm>> -> memref<128xi32, #tpu.memory_space<hbm>>
      tpu.wait_dma2 semaphore(%arg15 : memref<!tpu.dma_semaphore, #tpu.memory_space<semaphore_mem>>) src(%dma_wait3A_53 : memref<128xi32, #tpu.memory_space<hbm>>) dst(%arg8 : memref<128xi32, #tpu.memory_space<vmem>>)
      %mul3A_54 = arith.constant 128 : i32
      %mul3A_55 = arith.muli %add3A_44, %mul3A_54 : i32
      %dma_wait3A_56 = tpu.memref_slice %arg7[%mul3A_55] : memref<10000xi32, #tpu.memory_space<vmem>> -> memref<128xi32, #tpu.memory_space<vmem>>
      %dma_wait3A_57 = arith.constant 0 : i32
      %dma_wait3A_58 = arith.constant 0 : i32
      %dma_wait3A_59 = tpu.memref_slice %arg2[%dma_wait3A_57, %dma_wait3A_58] : memref<10112x128xf32, #tpu.memory_space<hbm>> -> memref<10112x128xf32, #tpu.memory_space<hbm>>
      tpu.wait_indirect_dma semaphore(%arg17 : memref<!tpu.dma_semaphore, #tpu.memory_space<semaphore_mem>>) src(%dma_wait3A_59 : memref<10112x128xf32, #tpu.memory_space<hbm>>) dst(%arg10 : memref<128x128xf32, #tpu.memory_space<vmem>>)
      %dma_start3A_60 = arith.constant 0 : i32
      %dma_start3A_61 = arith.constant 0 : i32
      %dma_start3A_62 = tpu.memref_slice %arg14[%dma_start3A_60, %dma_start3A_61] : memref<10112x128xf32, #tpu.memory_space<vmem_shared>> -> memref<10112x128xf32, #tpu.memory_space<vmem_shared>>
      tpu.enqueue_indirect_dma source(%arg10 : memref<128x128xf32, #tpu.memory_space<vmem>>) target(%dma_start3A_62 : memref<10112x128xf32, #tpu.memory_space<vmem_shared>>) offsets(%arg8 : memref<128xi32, #tpu.memory_space<vmem>>) semaphore(%arg19 : memref<!tpu.dma_semaphore, #tpu.memory_space<semaphore_mem>>) {add = true}
      %mul3A_63 = arith.constant 2 : i32
      %mul3A_64 = arith.muli %mul3A_63, %scan3A_40 : i32
      %add3A_65 = arith.constant 1 : i32
      %add3A_66 = arith.addi %mul3A_64, %add3A_65 : i32
      %add3A_67 = arith.constant 1 : i32
      %add3A_68 = arith.addi %add3A_66, %add3A_67 : i32
      %lt3A_69 = arith.constant 78 : i32
      %lt3A_70 = arith.cmpi slt, %add3A_68, %lt3A_69 : i32
      %convert_element_type3A_71 = arith.extui %lt3A_70 : i1 to i32
      %cond3A_72 = arith.constant 0 : i32
      %cond3A_73 = arith.cmpi ne, %convert_element_type3A_71, %cond3A_72 : i32
      scf.if %cond3A_73 {
        %ge3A = arith.constant 1 : i32
        %ge3A_88 = arith.cmpi sge, %add3A_66, %ge3A : i32
        %convert_element_type3A_89 = arith.extui %ge3A_88 : i1 to i32
        %cond3A_90 = arith.constant 0 : i32
        %cond3A_91 = arith.cmpi ne, %convert_element_type3A_89, %cond3A_90 : i32
        scf.if %cond3A_91 {
          %dma_wait3A_105 = arith.constant 0 : i32
          %dma_wait3A_106 = arith.constant 0 : i32
          %dma_wait3A_107 = tpu.memref_slice %arg14[%dma_wait3A_105, %dma_wait3A_106] : memref<10112x128xf32, #tpu.memory_space<vmem_shared>> -> memref<10112x128xf32, #tpu.memory_space<vmem_shared>>
          tpu.wait_indirect_dma semaphore(%arg19 : memref<!tpu.dma_semaphore, #tpu.memory_space<semaphore_mem>>) src(%arg10 : memref<128x128xf32, #tpu.memory_space<vmem>>) dst(%dma_wait3A_107 : memref<10112x128xf32, #tpu.memory_space<vmem_shared>>)
        } else {
        }
        %add3A_92 = arith.constant 1 : i32
        %add3A_93 = arith.addi %add3A_66, %add3A_92 : i32
        %mul3A_94 = arith.constant 128 : i32
        %mul3A_95 = arith.muli %add3A_93, %mul3A_94 : i32
        %add3A_96 = arith.addi %mul3A_2, %mul3A_95 : i32
        %dma_start3A_97 = tpu.memref_slice %arg4[%add3A_96] : memref<320000xi32, #tpu.memory_space<hbm>> -> memref<128xi32, #tpu.memory_space<hbm>>
        %dma_start3A_98 = tpu.memref_slice %arg4[%add3A_96] : memref<320000xi32, #tpu.memory_space<hbm>> -> memref<128xi32, #tpu.memory_space<hbm>>
        tpu.enqueue_dma source(%dma_start3A_98 : memref<128xi32, #tpu.memory_space<hbm>>) target(%arg8 : memref<128xi32, #tpu.memory_space<vmem>>) target_semaphore(%arg15 : memref<!tpu.dma_semaphore, #tpu.memory_space<semaphore_mem>>)
        %mul3A_99 = arith.constant 128 : i32
        %mul3A_100 = arith.muli %add3A_93, %mul3A_99 : i32
        %dma_start3A_101 = tpu.memref_slice %arg7[%mul3A_100] : memref<10000xi32, #tpu.memory_space<vmem>> -> memref<128xi32, #tpu.memory_space<vmem>>
        %dma_start3A_102 = arith.constant 0 : i32
        %dma_start3A_103 = arith.constant 0 : i32
        %dma_start3A_104 = tpu.memref_slice %arg2[%dma_start3A_102, %dma_start3A_103] : memref<10112x128xf32, #tpu.memory_space<hbm>> -> memref<10112x128xf32, #tpu.memory_space<hbm>>
        tpu.enqueue_indirect_dma source(%dma_start3A_104 : memref<10112x128xf32, #tpu.memory_space<hbm>>) target(%arg10 : memref<128x128xf32, #tpu.memory_space<vmem>>) offsets(%dma_start3A_101 : memref<128xi32, #tpu.memory_space<vmem>>) semaphore(%arg17 : memref<!tpu.dma_semaphore, #tpu.memory_space<semaphore_mem>>)
      } else {
      }
      %mul3A_74 = arith.constant 128 : i32
      %mul3A_75 = arith.muli %add3A_66, %mul3A_74 : i32
      %add3A_76 = arith.addi %mul3A_2, %mul3A_75 : i32
      %dma_wait3A_77 = tpu.memref_slice %arg4[%add3A_76] : memref<320000xi32, #tpu.memory_space<hbm>> -> memref<128xi32, #tpu.memory_space<hbm>>
      %dma_wait3A_78 = tpu.memref_slice %arg4[%add3A_76] : memref<320000xi32, #tpu.memory_space<hbm>> -> memref<128xi32, #tpu.memory_space<hbm>>
      tpu.wait_dma2 semaphore(%arg16 : memref<!tpu.dma_semaphore, #tpu.memory_space<semaphore_mem>>) src(%dma_wait3A_78 : memref<128xi32, #tpu.memory_space<hbm>>) dst(%arg9 : memref<128xi32, #tpu.memory_space<vmem>>)
      %mul3A_79 = arith.constant 128 : i32
      %mul3A_80 = arith.muli %add3A_66, %mul3A_79 : i32
      %dma_wait3A_81 = tpu.memref_slice %arg7[%mul3A_80] : memref<10000xi32, #tpu.memory_space<vmem>> -> memref<128xi32, #tpu.memory_space<vmem>>
      %dma_wait3A_82 = arith.constant 0 : i32
      %dma_wait3A_83 = arith.constant 0 : i32
      %dma_wait3A_84 = tpu.memref_slice %arg2[%dma_wait3A_82, %dma_wait3A_83] : memref<10112x128xf32, #tpu.memory_space<hbm>> -> memref<10112x128xf32, #tpu.memory_space<hbm>>
      tpu.wait_indirect_dma semaphore(%arg18 : memref<!tpu.dma_semaphore, #tpu.memory_space<semaphore_mem>>) src(%dma_wait3A_84 : memref<10112x128xf32, #tpu.memory_space<hbm>>) dst(%arg11 : memref<128x128xf32, #tpu.memory_space<vmem>>)
      %dma_start3A_85 = arith.constant 0 : i32
      %dma_start3A_86 = arith.constant 0 : i32
      %dma_start3A_87 = tpu.memref_slice %arg14[%dma_start3A_85, %dma_start3A_86] : memref<10112x128xf32, #tpu.memory_space<vmem_shared>> -> memref<10112x128xf32, #tpu.memory_space<vmem_shared>>
      tpu.enqueue_indirect_dma source(%arg11 : memref<128x128xf32, #tpu.memory_space<vmem>>) target(%dma_start3A_87 : memref<10112x128xf32, #tpu.memory_space<vmem_shared>>) offsets(%arg9 : memref<128xi32, #tpu.memory_space<vmem>>) semaphore(%arg20 : memref<!tpu.dma_semaphore, #tpu.memory_space<semaphore_mem>>) {add = true}
    }
    %scan3A_17 = arith.constant 39 : i32
    %dma_wait3A = arith.constant 0 : i32
    %dma_wait3A_18 = arith.constant 0 : i32
    %dma_wait3A_19 = tpu.memref_slice %arg14[%dma_wait3A, %dma_wait3A_18] : memref<10112x128xf32, #tpu.memory_space<vmem_shared>> -> memref<10112x128xf32, #tpu.memory_space<vmem_shared>>
    tpu.wait_indirect_dma semaphore(%arg19 : memref<!tpu.dma_semaphore, #tpu.memory_space<semaphore_mem>>) src(%arg10 : memref<128x128xf32, #tpu.memory_space<vmem>>) dst(%dma_wait3A_19 : memref<10112x128xf32, #tpu.memory_space<vmem_shared>>)
    %dma_wait3A_20 = arith.constant 0 : i32
    %dma_wait3A_21 = arith.constant 0 : i32
    %dma_wait3A_22 = tpu.memref_slice %arg14[%dma_wait3A_20, %dma_wait3A_21] : memref<10112x128xf32, #tpu.memory_space<vmem_shared>> -> memref<10112x128xf32, #tpu.memory_space<vmem_shared>>
    tpu.wait_indirect_dma semaphore(%arg20 : memref<!tpu.dma_semaphore, #tpu.memory_space<semaphore_mem>>) src(%arg11 : memref<128x128xf32, #tpu.memory_space<vmem>>) dst(%dma_wait3A_22 : memref<10112x128xf32, #tpu.memory_space<vmem_shared>>)
    %add3A_23 = arith.constant 9984 : i32
    %add3A_24 = arith.addi %mul3A_2, %add3A_23 : i32
    "tpu.region"() ({
      %run_scoped3A = tpu.sem_alloc : memref<!tpu.dma_semaphore, #tpu.memory_space<semaphore_mem>>
      %dma_start3A_40 = tpu.memref_slice %arg4[%add3A_24] : memref<320000xi32, #tpu.memory_space<hbm>> -> memref<16xi32, #tpu.memory_space<hbm>>
      %dma_start3A_41 = tpu.memref_slice %arg4[%add3A_24] : memref<320000xi32, #tpu.memory_space<hbm>> -> memref<16xi32, #tpu.memory_space<hbm>>
      tpu.enqueue_dma source(%dma_start3A_41 : memref<16xi32, #tpu.memory_space<hbm>>) target(%arg12 : memref<16xi32, #tpu.memory_space<vmem>>) target_semaphore(%run_scoped3A : memref<!tpu.dma_semaphore, #tpu.memory_space<semaphore_mem>>)
      %dma_wait3A_42 = tpu.memref_slice %arg4[%add3A_24] : memref<320000xi32, #tpu.memory_space<hbm>> -> memref<16xi32, #tpu.memory_space<hbm>>
      %dma_wait3A_43 = tpu.memref_slice %arg4[%add3A_24] : memref<320000xi32, #tpu.memory_space<hbm>> -> memref<16xi32, #tpu.memory_space<hbm>>
      tpu.wait_dma2 semaphore(%run_scoped3A : memref<!tpu.dma_semaphore, #tpu.memory_space<semaphore_mem>>) src(%dma_wait3A_43 : memref<16xi32, #tpu.memory_space<hbm>>) dst(%arg12 : memref<16xi32, #tpu.memory_space<vmem>>)
      tpu.yield
    }) : () -> ()
    %dma_start3A_25 = arith.constant 9984 : i32
    %dma_start3A_26 = tpu.memref_slice %arg7[%dma_start3A_25] : memref<10000xi32, #tpu.memory_space<vmem>> -> memref<16xi32, #tpu.memory_space<vmem>>
    %dma_start3A_27 = arith.constant 0 : i32
    %dma_start3A_28 = arith.constant 0 : i32
    %dma_start3A_29 = tpu.memref_slice %arg2[%dma_start3A_27, %dma_start3A_28] : memref<10112x128xf32, #tpu.memory_space<hbm>> -> memref<10112x128xf32, #tpu.memory_space<hbm>>
    tpu.enqueue_indirect_dma source(%dma_start3A_29 : memref<10112x128xf32, #tpu.memory_space<hbm>>) target(%arg13 : memref<16x128xf32, #tpu.memory_space<vmem>>) offsets(%dma_start3A_26 : memref<16xi32, #tpu.memory_space<vmem>>) semaphore(%arg17 : memref<!tpu.dma_semaphore, #tpu.memory_space<semaphore_mem>>)
    %dma_wait3A_30 = arith.constant 9984 : i32
    %dma_wait3A_31 = tpu.memref_slice %arg7[%dma_wait3A_30] : memref<10000xi32, #tpu.memory_space<vmem>> -> memref<16xi32, #tpu.memory_space<vmem>>
    %dma_wait3A_32 = arith.constant 0 : i32
    %dma_wait3A_33 = arith.constant 0 : i32
    %dma_wait3A_34 = tpu.memref_slice %arg2[%dma_wait3A_32, %dma_wait3A_33] : memref<10112x128xf32, #tpu.memory_space<hbm>> -> memref<10112x128xf32, #tpu.memory_space<hbm>>
    tpu.wait_indirect_dma semaphore(%arg17 : memref<!tpu.dma_semaphore, #tpu.memory_space<semaphore_mem>>) src(%dma_wait3A_34 : memref<10112x128xf32, #tpu.memory_space<hbm>>) dst(%arg13 : memref<16x128xf32, #tpu.memory_space<vmem>>)
    "tpu.region"() ({
      %run_scoped3A = tpu.sem_alloc : memref<!tpu.dma_semaphore, #tpu.memory_space<semaphore_mem>>
      %dma_start3A_40 = arith.constant 0 : i32
      %dma_start3A_41 = arith.constant 0 : i32
      %dma_start3A_42 = tpu.memref_slice %arg14[%dma_start3A_40, %dma_start3A_41] : memref<10112x128xf32, #tpu.memory_space<vmem_shared>> -> memref<10112x128xf32, #tpu.memory_space<vmem_shared>>
      tpu.enqueue_indirect_dma source(%arg13 : memref<16x128xf32, #tpu.memory_space<vmem>>) target(%dma_start3A_42 : memref<10112x128xf32, #tpu.memory_space<vmem_shared>>) offsets(%arg12 : memref<16xi32, #tpu.memory_space<vmem>>) semaphore(%run_scoped3A : memref<!tpu.dma_semaphore, #tpu.memory_space<semaphore_mem>>) {add = true}
      %dma_wait3A_43 = arith.constant 0 : i32
      %dma_wait3A_44 = arith.constant 0 : i32
      %dma_wait3A_45 = tpu.memref_slice %arg14[%dma_wait3A_43, %dma_wait3A_44] : memref<10112x128xf32, #tpu.memory_space<vmem_shared>> -> memref<10112x128xf32, #tpu.memory_space<vmem_shared>>
      tpu.wait_indirect_dma semaphore(%run_scoped3A : memref<!tpu.dma_semaphore, #tpu.memory_space<semaphore_mem>>) src(%arg13 : memref<16x128xf32, #tpu.memory_space<vmem>>) dst(%dma_wait3A_45 : memref<10112x128xf32, #tpu.memory_space<vmem_shared>>)
      tpu.yield
    }) : () -> ()
    %barrier3A_35 = arith.constant 0 : index
    tpu.barrier barrier_id(%barrier3A_35)
    %mul3A_36 = arith.constant 632 : i32
    %mul3A_37 = arith.muli %arg1, %mul3A_36 : i32
    %mul3A_38 = arith.constant 632 : i32
    %mul3A_39 = arith.muli %arg1, %mul3A_38 : i32
    "tpu.region"() ({
      %run_scoped3A = tpu.sem_alloc : memref<!tpu.dma_semaphore, #tpu.memory_space<semaphore_mem>>
      %dma_start3A_40 = arith.constant 0 : i32
      %dma_start3A_41 = tpu.memref_slice %arg6[%arg0, %mul3A_39, %dma_start3A_40] : memref<2x10112x128xf32, #tpu.memory_space<hbm>> -> memref<1x632x128xf32, #tpu.memory_space<hbm>>
      %dma_start3A_42 = tpu.memref_squeeze %dma_start3A_41 : memref<1x632x128xf32, #tpu.memory_space<hbm>> -> memref<632x128xf32, #tpu.memory_space<hbm>>
      %dma_start3A_43 = arith.constant 0 : i32
      %dma_start3A_44 = tpu.memref_slice %arg14[%mul3A_37, %dma_start3A_43] : memref<10112x128xf32, #tpu.memory_space<vmem_shared>> -> memref<632x128xf32, #tpu.memory_space<vmem_shared>>
      tpu.enqueue_dma source(%dma_start3A_44 : memref<632x128xf32, #tpu.memory_space<vmem_shared>>) target(%dma_start3A_42 : memref<632x128xf32, #tpu.memory_space<hbm>>) target_semaphore(%run_scoped3A : memref<!tpu.dma_semaphore, #tpu.memory_space<semaphore_mem>>)
      %dma_wait3A_45 = arith.constant 0 : i32
      %dma_wait3A_46 = tpu.memref_slice %arg6[%arg0, %mul3A_39, %dma_wait3A_45] : memref<2x10112x128xf32, #tpu.memory_space<hbm>> -> memref<1x632x128xf32, #tpu.memory_space<hbm>>
      %dma_wait3A_47 = tpu.memref_squeeze %dma_wait3A_46 : memref<1x632x128xf32, #tpu.memory_space<hbm>> -> memref<632x128xf32, #tpu.memory_space<hbm>>
      %dma_wait3A_48 = arith.constant 0 : i32
      %dma_wait3A_49 = tpu.memref_slice %arg14[%mul3A_37, %dma_wait3A_48] : memref<10112x128xf32, #tpu.memory_space<vmem_shared>> -> memref<632x128xf32, #tpu.memory_space<vmem_shared>>
      tpu.wait_dma2 semaphore(%run_scoped3A : memref<!tpu.dma_semaphore, #tpu.memory_space<semaphore_mem>>) src(%dma_wait3A_49 : memref<632x128xf32, #tpu.memory_space<vmem_shared>>) dst(%dma_wait3A_47 : memref<632x128xf32, #tpu.memory_space<hbm>>)
      tpu.yield
    }) : () -> ()
    return
  }
}

#map = affine_map<(d0, d1) -> (0, 0)>
#map1 = affine_map<(d0, d1) -> (0)>
#map2 = affine_map<(d0, d1) -> (0, 0, 0)>
module attributes {stable_mosaic.version = 14 : i64} {
  func.func @kscat(%arg0: i32, %arg1: i32, %arg2: memref<10112x128xf32, #tpu.memory_space<hbm>>, %arg3: memref<320000xi32, #tpu.memory_space<hbm>>, %arg4: memref<320000xi32, #tpu.memory_space<hbm>>, %arg5: memref<632x128xf32, #tpu.memory_space<hbm>>, %arg6: memref<2x10112x128xf32, #tpu.memory_space<hbm>>, %arg7: memref<10000xi32, #tpu.memory_space<vmem>>, %arg8: memref<128xi32, #tpu.memory_space<vmem>>, %arg9: memref<128xi32, #tpu.memory_space<vmem>>, %arg10: memref<128x128xf32, #tpu.memory_space<vmem>>, %arg11: memref<128x128xf32, #tpu.memory_space<vmem>>, %arg12: memref<16xi32, #tpu.memory_space<vmem>>, %arg13: memref<16x128xf32, #tpu.memory_space<vmem>>, %arg14: memref<10112x128xf32, #tpu.memory_space<vmem_shared>>, %arg15: memref<!tpu.dma_semaphore, #tpu.memory_space<semaphore_mem>>, %arg16: memref<!tpu.dma_semaphore, #tpu.memory_space<semaphore_mem>>, %arg17: memref<!tpu.dma_semaphore, #tpu.memory_space<semaphore_mem>>, %arg18: memref<!tpu.dma_semaphore, #tpu.memory_space<semaphore_mem>>, %arg19: memref<!tpu.dma_semaphore, #tpu.memory_space<semaphore_mem>>, %arg20: memref<!tpu.dma_semaphore, #tpu.memory_space<semaphore_mem>>) attributes {dimension_semantics = [#tpu.dimension_semantics<core_parallel>, #tpu.dimension_semantics<subcore_parallel>], iteration_bounds = array<i64: 2, 16>, scalar_prefetch = 0 : i64, scratch_operands = 14 : i64, tpu.core_type = #tpu.core_type<sc_vector_subcore>, window_params = [{transform_indices = #map}, {transform_indices = #map1}, {transform_indices = #map1}, {transform_indices = #map}, {transform_indices = #map2}]} {
    %mul3A = arith.constant 2 : i32
    %mul3A_0 = arith.muli %arg1, %mul3A : i32
    %add3A = arith.addi %mul3A_0, %arg0 : i32
    %mul3A_1 = arith.constant 10000 : i32
    %mul3A_2 = arith.muli %add3A, %mul3A_1 : i32
    %mul3A_3 = arith.constant 632 : i32
    %mul3A_4 = arith.muli %arg1, %mul3A_3 : i32
    "tpu.region"() ({
      %run_scoped3A = tpu.sem_alloc : memref<!tpu.dma_semaphore, #tpu.memory_space<semaphore_mem>>
      %dma_start3A_40 = arith.constant 0 : i32
      %dma_start3A_41 = tpu.memref_slice %arg14[%mul3A_4, %dma_start3A_40] : memref<10112x128xf32, #tpu.memory_space<vmem_shared>> -> memref<632x128xf32, #tpu.memory_space<vmem_shared>>
      tpu.enqueue_dma source(%arg5 : memref<632x128xf32, #tpu.memory_space<hbm>>) target(%dma_start3A_41 : memref<632x128xf32, #tpu.memory_space<vmem_shared>>) target_semaphore(%run_scoped3A : memref<!tpu.dma_semaphore, #tpu.memory_space<semaphore_mem>>)
      %dma_wait3A_42 = arith.constant 0 : i32
      %dma_wait3A_43 = tpu.memref_slice %arg14[%mul3A_4, %dma_wait3A_42] : memref<10112x128xf32, #tpu.memory_space<vmem_shared>> -> memref<632x128xf32, #tpu.memory_space<vmem_shared>>
      tpu.wait_dma2 semaphore(%run_scoped3A : memref<!tpu.dma_semaphore, #tpu.memory_space<semaphore_mem>>) src(%arg5 : memref<632x128xf32, #tpu.memory_space<hbm>>) dst(%dma_wait3A_43 : memref<632x128xf32, #tpu.memory_space<vmem_shared>>)
      tpu.yield
    }) : () -> ()
    "tpu.region"() ({
      %run_scoped3A = tpu.sem_alloc : memref<!tpu.dma_semaphore, #tpu.memory_space<semaphore_mem>>
      %dma_start3A_40 = tpu.memref_slice %arg3[%mul3A_2] : memref<320000xi32, #tpu.memory_space<hbm>> -> memref<10000xi32, #tpu.memory_space<hbm>>
      %dma_start3A_41 = tpu.memref_slice %arg3[%mul3A_2] : memref<320000xi32, #tpu.memory_space<hbm>> -> memref<10000xi32, #tpu.memory_space<hbm>>
      tpu.enqueue_dma source(%dma_start3A_41 : memref<10000xi32, #tpu.memory_space<hbm>>) target(%arg7 : memref<10000xi32, #tpu.memory_space<vmem>>) target_semaphore(%run_scoped3A : memref<!tpu.dma_semaphore, #tpu.memory_space<semaphore_mem>>)
      %dma_wait3A_42 = tpu.memref_slice %arg3[%mul3A_2] : memref<320000xi32, #tpu.memory_space<hbm>> -> memref<10000xi32, #tpu.memory_space<hbm>>
      %dma_wait3A_43 = tpu.memref_slice %arg3[%mul3A_2] : memref<320000xi32, #tpu.memory_space<hbm>> -> memref<10000xi32, #tpu.memory_space<hbm>>
      tpu.wait_dma2 semaphore(%run_scoped3A : memref<!tpu.dma_semaphore, #tpu.memory_space<semaphore_mem>>) src(%dma_wait3A_43 : memref<10000xi32, #tpu.memory_space<hbm>>) dst(%arg7 : memref<10000xi32, #tpu.memory_space<vmem>>)
      tpu.yield
    }) : () -> ()
    %barrier3A = arith.constant 0 : index
    tpu.barrier barrier_id(%barrier3A)
    %add3A_5 = arith.constant 0 : i32
    %add3A_6 = arith.addi %mul3A_2, %add3A_5 : i32
    %dma_start3A = tpu.memref_slice %arg4[%add3A_6] : memref<320000xi32, #tpu.memory_space<hbm>> -> memref<128xi32, #tpu.memory_space<hbm>>
    %dma_start3A_7 = tpu.memref_slice %arg4[%add3A_6] : memref<320000xi32, #tpu.memory_space<hbm>> -> memref<128xi32, #tpu.memory_space<hbm>>
    tpu.enqueue_dma source(%dma_start3A_7 : memref<128xi32, #tpu.memory_space<hbm>>) target(%arg8 : memref<128xi32, #tpu.memory_space<vmem>>) target_semaphore(%arg15 : memref<!tpu.dma_semaphore, #tpu.memory_space<semaphore_mem>>)
    %dma_start3A_8 = arith.constant 0 : i32
    %dma_start3A_9 = tpu.memref_slice %arg7[%dma_start3A_8] : memref<10000xi32, #tpu.memory_space<vmem>> -> memref<128xi32, #tpu.memory_space<vmem>>
    %dma_start3A_10 = arith.constant 0 : i32
    %dma_start3A_11 = arith.constant 0 : i32
    %dma_start3A_12 = tpu.memref_slice %arg2[%dma_start3A_10, %dma_start3A_11] : memref<10112x128xf32, #tpu.memory_space<hbm>> -> memref<10112x128xf32, #tpu.memory_space<hbm>>
    tpu.enqueue_indirect_dma source(%dma_start3A_12 : memref<10112x128xf32, #tpu.memory_space<hbm>>) target(%arg10 : memref<128x128xf32, #tpu.memory_space<vmem>>) offsets(%dma_start3A_9 : memref<128xi32, #tpu.memory_space<vmem>>) semaphore(%arg17 : memref<!tpu.dma_semaphore, #tpu.memory_space<semaphore_mem>>)
    %scan3A = arith.constant 0 : i32
    %scan3A_13 = arith.constant 0 : i32
    %scan3A_14 = arith.constant 39 : i32
    %scan3A_15 = arith.addi %scan3A_13, %scan3A_14 : i32
    %scan3A_16 = arith.constant 1 : i32
    scf.for %scan3A_40 = %scan3A_13 to %scan3A_15 step %scan3A_16  : i32 {
      %mul3A_41 = arith.constant 2 : i32
      %mul3A_42 = arith.muli %mul3A_41, %scan3A_40 : i32
      %add3A_43 = arith.constant 0 : i32
      %add3A_44 = arith.addi %mul3A_42, %add3A_43 : i32
      %add3A_45 = arith.constant 1 : i32
      %add3A_46 = arith.addi %add3A_44, %add3A_45 : i32
      %lt3A = arith.constant 78 : i32
      %lt3A_47 = arith.cmpi slt, %add3A_46, %lt3A : i32
      %convert_element_type3A = arith.extui %lt3A_47 : i1 to i32
      %cond3A = arith.constant 0 : i32
      %cond3A_48 = arith.cmpi ne, %convert_element_type3A, %cond3A : i32
      scf.if %cond3A_48 {
        %ge3A = arith.constant 1 : i32
        %ge3A_88 = arith.cmpi sge, %add3A_44, %ge3A : i32
        %convert_element_type3A_89 = arith.extui %ge3A_88 : i1 to i32
        %cond3A_90 = arith.constant 0 : i32
        %cond3A_91 = arith.cmpi ne, %convert_element_type3A_89, %cond3A_90 : i32
        scf.if %cond3A_91 {
          %dma_wait3A_105 = arith.constant 0 : i32
          %dma_wait3A_106 = arith.constant 0 : i32
          %dma_wait3A_107 = tpu.memref_slice %arg14[%dma_wait3A_105, %dma_wait3A_106] : memref<10112x128xf32, #tpu.memory_space<vmem_shared>> -> memref<10112x128xf32, #tpu.memory_space<vmem_shared>>
          tpu.wait_indirect_dma semaphore(%arg20 : memref<!tpu.dma_semaphore, #tpu.memory_space<semaphore_mem>>) src(%arg11 : memref<128x128xf32, #tpu.memory_space<vmem>>) dst(%dma_wait3A_107 : memref<10112x128xf32, #tpu.memory_space<vmem_shared>>)
        } else {
        }
        %add3A_92 = arith.constant 1 : i32
        %add3A_93 = arith.addi %add3A_44, %add3A_92 : i32
        %mul3A_94 = arith.constant 128 : i32
        %mul3A_95 = arith.muli %add3A_93, %mul3A_94 : i32
        %add3A_96 = arith.addi %mul3A_2, %mul3A_95 : i32
        %dma_start3A_97 = tpu.memref_slice %arg4[%add3A_96] : memref<320000xi32, #tpu.memory_space<hbm>> -> memref<128xi32, #tpu.memory_space<hbm>>
        %dma_start3A_98 = tpu.memref_slice %arg4[%add3A_96] : memref<320000xi32, #tpu.memory_space<hbm>> -> memref<128xi32, #tpu.memory_space<hbm>>
        tpu.enqueue_dma source(%dma_start3A_98 : memref<128xi32, #tpu.memory_space<hbm>>) target(%arg9 : memref<128xi32, #tpu.memory_space<vmem>>) target_semaphore(%arg16 : memref<!tpu.dma_semaphore, #tpu.memory_space<semaphore_mem>>)
        %mul3A_99 = arith.constant 128 : i32
        %mul3A_100 = arith.muli %add3A_93, %mul3A_99 : i32
        %dma_start3A_101 = tpu.memref_slice %arg7[%mul3A_100] : memref<10000xi32, #tpu.memory_space<vmem>> -> memref<128xi32, #tpu.memory_space<vmem>>
        %dma_start3A_102 = arith.constant 0 : i32
        %dma_start3A_103 = arith.constant 0 : i32
        %dma_start3A_104 = tpu.memref_slice %arg2[%dma_start3A_102, %dma_start3A_103] : memref<10112x128xf32, #tpu.memory_space<hbm>> -> memref<10112x128xf32, #tpu.memory_space<hbm>>
        tpu.enqueue_indirect_dma source(%dma_start3A_104 : memref<10112x128xf32, #tpu.memory_space<hbm>>) target(%arg11 : memref<128x128xf32, #tpu.memory_space<vmem>>) offsets(%dma_start3A_101 : memref<128xi32, #tpu.memory_space<vmem>>) semaphore(%arg18 : memref<!tpu.dma_semaphore, #tpu.memory_space<semaphore_mem>>)
      } else {
      }
      %mul3A_49 = arith.constant 128 : i32
      %mul3A_50 = arith.muli %add3A_44, %mul3A_49 : i32
      %add3A_51 = arith.addi %mul3A_2, %mul3A_50 : i32
      %dma_wait3A_52 = tpu.memref_slice %arg4[%add3A_51] : memref<320000xi32, #tpu.memory_space<hbm>> -> memref<128xi32, #tpu.memory_space<hbm>>
      %dma_wait3A_53 = tpu.memref_slice %arg4[%add3A_51] : memref<320000xi32, #tpu.memory_space<hbm>> -> memref<128xi32, #tpu.memory_space<hbm>>
      tpu.wait_dma2 semaphore(%arg15 : memref<!tpu.dma_semaphore, #tpu.memory_space<semaphore_mem>>) src(%dma_wait3A_53 : memref<128xi32, #tpu.memory_space<hbm>>) dst(%arg8 : memref<128xi32, #tpu.memory_space<vmem>>)
      %mul3A_54 = arith.constant 128 : i32
      %mul3A_55 = arith.muli %add3A_44, %mul3A_54 : i32
      %dma_wait3A_56 = tpu.memref_slice %arg7[%mul3A_55] : memref<10000xi32, #tpu.memory_space<vmem>> -> memref<128xi32, #tpu.memory_space<vmem>>
      %dma_wait3A_57 = arith.constant 0 : i32
      %dma_wait3A_58 = arith.constant 0 : i32
      %dma_wait3A_59 = tpu.memref_slice %arg2[%dma_wait3A_57, %dma_wait3A_58] : memref<10112x128xf32, #tpu.memory_space<hbm>> -> memref<10112x128xf32, #tpu.memory_space<hbm>>
      tpu.wait_indirect_dma semaphore(%arg17 : memref<!tpu.dma_semaphore, #tpu.memory_space<semaphore_mem>>) src(%dma_wait3A_59 : memref<10112x128xf32, #tpu.memory_space<hbm>>) dst(%arg10 : memref<128x128xf32, #tpu.memory_space<vmem>>)
      %dma_start3A_60 = arith.constant 0 : i32
      %dma_start3A_61 = arith.constant 0 : i32
      %dma_start3A_62 = tpu.memref_slice %arg14[%dma_start3A_60, %dma_start3A_61] : memref<10112x128xf32, #tpu.memory_space<vmem_shared>> -> memref<10112x128xf32, #tpu.memory_space<vmem_shared>>
      tpu.enqueue_indirect_dma source(%arg10 : memref<128x128xf32, #tpu.memory_space<vmem>>) target(%dma_start3A_62 : memref<10112x128xf32, #tpu.memory_space<vmem_shared>>) offsets(%arg8 : memref<128xi32, #tpu.memory_space<vmem>>) semaphore(%arg19 : memref<!tpu.dma_semaphore, #tpu.memory_space<semaphore_mem>>) {add = true}
      %mul3A_63 = arith.constant 2 : i32
      %mul3A_64 = arith.muli %mul3A_63, %scan3A_40 : i32
      %add3A_65 = arith.constant 1 : i32
      %add3A_66 = arith.addi %mul3A_64, %add3A_65 : i32
      %add3A_67 = arith.constant 1 : i32
      %add3A_68 = arith.addi %add3A_66, %add3A_67 : i32
      %lt3A_69 = arith.constant 78 : i32
      %lt3A_70 = arith.cmpi slt, %add3A_68, %lt3A_69 : i32
      %convert_element_type3A_71 = arith.extui %lt3A_70 : i1 to i32
      %cond3A_72 = arith.constant 0 : i32
      %cond3A_73 = arith.cmpi ne, %convert_element_type3A_71, %cond3A_72 : i32
      scf.if %cond3A_73 {
        %ge3A = arith.constant 1 : i32
        %ge3A_88 = arith.cmpi sge, %add3A_66, %ge3A : i32
        %convert_element_type3A_89 = arith.extui %ge3A_88 : i1 to i32
        %cond3A_90 = arith.constant 0 : i32
        %cond3A_91 = arith.cmpi ne, %convert_element_type3A_89, %cond3A_90 : i32
        scf.if %cond3A_91 {
          %dma_wait3A_105 = arith.constant 0 : i32
          %dma_wait3A_106 = arith.constant 0 : i32
          %dma_wait3A_107 = tpu.memref_slice %arg14[%dma_wait3A_105, %dma_wait3A_106] : memref<10112x128xf32, #tpu.memory_space<vmem_shared>> -> memref<10112x128xf32, #tpu.memory_space<vmem_shared>>
          tpu.wait_indirect_dma semaphore(%arg19 : memref<!tpu.dma_semaphore, #tpu.memory_space<semaphore_mem>>) src(%arg10 : memref<128x128xf32, #tpu.memory_space<vmem>>) dst(%dma_wait3A_107 : memref<10112x128xf32, #tpu.memory_space<vmem_shared>>)
        } else {
        }
        %add3A_92 = arith.constant 1 : i32
        %add3A_93 = arith.addi %add3A_66, %add3A_92 : i32
        %mul3A_94 = arith.constant 128 : i32
        %mul3A_95 = arith.muli %add3A_93, %mul3A_94 : i32
        %add3A_96 = arith.addi %mul3A_2, %mul3A_95 : i32
        %dma_start3A_97 = tpu.memref_slice %arg4[%add3A_96] : memref<320000xi32, #tpu.memory_space<hbm>> -> memref<128xi32, #tpu.memory_space<hbm>>
        %dma_start3A_98 = tpu.memref_slice %arg4[%add3A_96] : memref<320000xi32, #tpu.memory_space<hbm>> -> memref<128xi32, #tpu.memory_space<hbm>>
        tpu.enqueue_dma source(%dma_start3A_98 : memref<128xi32, #tpu.memory_space<hbm>>) target(%arg8 : memref<128xi32, #tpu.memory_space<vmem>>) target_semaphore(%arg15 : memref<!tpu.dma_semaphore, #tpu.memory_space<semaphore_mem>>)
        %mul3A_99 = arith.constant 128 : i32
        %mul3A_100 = arith.muli %add3A_93, %mul3A_99 : i32
        %dma_start3A_101 = tpu.memref_slice %arg7[%mul3A_100] : memref<10000xi32, #tpu.memory_space<vmem>> -> memref<128xi32, #tpu.memory_space<vmem>>
        %dma_start3A_102 = arith.constant 0 : i32
        %dma_start3A_103 = arith.constant 0 : i32
        %dma_start3A_104 = tpu.memref_slice %arg2[%dma_start3A_102, %dma_start3A_103] : memref<10112x128xf32, #tpu.memory_space<hbm>> -> memref<10112x128xf32, #tpu.memory_space<hbm>>
        tpu.enqueue_indirect_dma source(%dma_start3A_104 : memref<10112x128xf32, #tpu.memory_space<hbm>>) target(%arg10 : memref<128x128xf32, #tpu.memory_space<vmem>>) offsets(%dma_start3A_101 : memref<128xi32, #tpu.memory_space<vmem>>) semaphore(%arg17 : memref<!tpu.dma_semaphore, #tpu.memory_space<semaphore_mem>>)
      } else {
      }
      %mul3A_74 = arith.constant 128 : i32
      %mul3A_75 = arith.muli %add3A_66, %mul3A_74 : i32
      %add3A_76 = arith.addi %mul3A_2, %mul3A_75 : i32
      %dma_wait3A_77 = tpu.memref_slice %arg4[%add3A_76] : memref<320000xi32, #tpu.memory_space<hbm>> -> memref<128xi32, #tpu.memory_space<hbm>>
      %dma_wait3A_78 = tpu.memref_slice %arg4[%add3A_76] : memref<320000xi32, #tpu.memory_space<hbm>> -> memref<128xi32, #tpu.memory_space<hbm>>
      tpu.wait_dma2 semaphore(%arg16 : memref<!tpu.dma_semaphore, #tpu.memory_space<semaphore_mem>>) src(%dma_wait3A_78 : memref<128xi32, #tpu.memory_space<hbm>>) dst(%arg9 : memref<128xi32, #tpu.memory_space<vmem>>)
      %mul3A_79 = arith.constant 128 : i32
      %mul3A_80 = arith.muli %add3A_66, %mul3A_79 : i32
      %dma_wait3A_81 = tpu.memref_slice %arg7[%mul3A_80] : memref<10000xi32, #tpu.memory_space<vmem>> -> memref<128xi32, #tpu.memory_space<vmem>>
      %dma_wait3A_82 = arith.constant 0 : i32
      %dma_wait3A_83 = arith.constant 0 : i32
      %dma_wait3A_84 = tpu.memref_slice %arg2[%dma_wait3A_82, %dma_wait3A_83] : memref<10112x128xf32, #tpu.memory_space<hbm>> -> memref<10112x128xf32, #tpu.memory_space<hbm>>
      tpu.wait_indirect_dma semaphore(%arg18 : memref<!tpu.dma_semaphore, #tpu.memory_space<semaphore_mem>>) src(%dma_wait3A_84 : memref<10112x128xf32, #tpu.memory_space<hbm>>) dst(%arg11 : memref<128x128xf32, #tpu.memory_space<vmem>>)
      %dma_start3A_85 = arith.constant 0 : i32
      %dma_start3A_86 = arith.constant 0 : i32
      %dma_start3A_87 = tpu.memref_slice %arg14[%dma_start3A_85, %dma_start3A_86] : memref<10112x128xf32, #tpu.memory_space<vmem_shared>> -> memref<10112x128xf32, #tpu.memory_space<vmem_shared>>
      tpu.enqueue_indirect_dma source(%arg11 : memref<128x128xf32, #tpu.memory_space<vmem>>) target(%dma_start3A_87 : memref<10112x128xf32, #tpu.memory_space<vmem_shared>>) offsets(%arg9 : memref<128xi32, #tpu.memory_space<vmem>>) semaphore(%arg20 : memref<!tpu.dma_semaphore, #tpu.memory_space<semaphore_mem>>) {add = true}
    }
    %scan3A_17 = arith.constant 39 : i32
    %dma_wait3A = arith.constant 0 : i32
    %dma_wait3A_18 = arith.constant 0 : i32
    %dma_wait3A_19 = tpu.memref_slice %arg14[%dma_wait3A, %dma_wait3A_18] : memref<10112x128xf32, #tpu.memory_space<vmem_shared>> -> memref<10112x128xf32, #tpu.memory_space<vmem_shared>>
    tpu.wait_indirect_dma semaphore(%arg19 : memref<!tpu.dma_semaphore, #tpu.memory_space<semaphore_mem>>) src(%arg10 : memref<128x128xf32, #tpu.memory_space<vmem>>) dst(%dma_wait3A_19 : memref<10112x128xf32, #tpu.memory_space<vmem_shared>>)
    %dma_wait3A_20 = arith.constant 0 : i32
    %dma_wait3A_21 = arith.constant 0 : i32
    %dma_wait3A_22 = tpu.memref_slice %arg14[%dma_wait3A_20, %dma_wait3A_21] : memref<10112x128xf32, #tpu.memory_space<vmem_shared>> -> memref<10112x128xf32, #tpu.memory_space<vmem_shared>>
    tpu.wait_indirect_dma semaphore(%arg20 : memref<!tpu.dma_semaphore, #tpu.memory_space<semaphore_mem>>) src(%arg11 : memref<128x128xf32, #tpu.memory_space<vmem>>) dst(%dma_wait3A_22 : memref<10112x128xf32, #tpu.memory_space<vmem_shared>>)
    %add3A_23 = arith.constant 9984 : i32
    %add3A_24 = arith.addi %mul3A_2, %add3A_23 : i32
    "tpu.region"() ({
      %run_scoped3A = tpu.sem_alloc : memref<!tpu.dma_semaphore, #tpu.memory_space<semaphore_mem>>
      %dma_start3A_40 = tpu.memref_slice %arg4[%add3A_24] : memref<320000xi32, #tpu.memory_space<hbm>> -> memref<16xi32, #tpu.memory_space<hbm>>
      %dma_start3A_41 = tpu.memref_slice %arg4[%add3A_24] : memref<320000xi32, #tpu.memory_space<hbm>> -> memref<16xi32, #tpu.memory_space<hbm>>
      tpu.enqueue_dma source(%dma_start3A_41 : memref<16xi32, #tpu.memory_space<hbm>>) target(%arg12 : memref<16xi32, #tpu.memory_space<vmem>>) target_semaphore(%run_scoped3A : memref<!tpu.dma_semaphore, #tpu.memory_space<semaphore_mem>>)
      %dma_wait3A_42 = tpu.memref_slice %arg4[%add3A_24] : memref<320000xi32, #tpu.memory_space<hbm>> -> memref<16xi32, #tpu.memory_space<hbm>>
      %dma_wait3A_43 = tpu.memref_slice %arg4[%add3A_24] : memref<320000xi32, #tpu.memory_space<hbm>> -> memref<16xi32, #tpu.memory_space<hbm>>
      tpu.wait_dma2 semaphore(%run_scoped3A : memref<!tpu.dma_semaphore, #tpu.memory_space<semaphore_mem>>) src(%dma_wait3A_43 : memref<16xi32, #tpu.memory_space<hbm>>) dst(%arg12 : memref<16xi32, #tpu.memory_space<vmem>>)
      tpu.yield
    }) : () -> ()
    %dma_start3A_25 = arith.constant 9984 : i32
    %dma_start3A_26 = tpu.memref_slice %arg7[%dma_start3A_25] : memref<10000xi32, #tpu.memory_space<vmem>> -> memref<16xi32, #tpu.memory_space<vmem>>
    %dma_start3A_27 = arith.constant 0 : i32
    %dma_start3A_28 = arith.constant 0 : i32
    %dma_start3A_29 = tpu.memref_slice %arg2[%dma_start3A_27, %dma_start3A_28] : memref<10112x128xf32, #tpu.memory_space<hbm>> -> memref<10112x128xf32, #tpu.memory_space<hbm>>
    tpu.enqueue_indirect_dma source(%dma_start3A_29 : memref<10112x128xf32, #tpu.memory_space<hbm>>) target(%arg13 : memref<16x128xf32, #tpu.memory_space<vmem>>) offsets(%dma_start3A_26 : memref<16xi32, #tpu.memory_space<vmem>>) semaphore(%arg17 : memref<!tpu.dma_semaphore, #tpu.memory_space<semaphore_mem>>)
    %dma_wait3A_30 = arith.constant 9984 : i32
    %dma_wait3A_31 = tpu.memref_slice %arg7[%dma_wait3A_30] : memref<10000xi32, #tpu.memory_space<vmem>> -> memref<16xi32, #tpu.memory_space<vmem>>
    %dma_wait3A_32 = arith.constant 0 : i32
    %dma_wait3A_33 = arith.constant 0 : i32
    %dma_wait3A_34 = tpu.memref_slice %arg2[%dma_wait3A_32, %dma_wait3A_33] : memref<10112x128xf32, #tpu.memory_space<hbm>> -> memref<10112x128xf32, #tpu.memory_space<hbm>>
    tpu.wait_indirect_dma semaphore(%arg17 : memref<!tpu.dma_semaphore, #tpu.memory_space<semaphore_mem>>) src(%dma_wait3A_34 : memref<10112x128xf32, #tpu.memory_space<hbm>>) dst(%arg13 : memref<16x128xf32, #tpu.memory_space<vmem>>)
    "tpu.region"() ({
      %run_scoped3A = tpu.sem_alloc : memref<!tpu.dma_semaphore, #tpu.memory_space<semaphore_mem>>
      %dma_start3A_40 = arith.constant 0 : i32
      %dma_start3A_41 = arith.constant 0 : i32
      %dma_start3A_42 = tpu.memref_slice %arg14[%dma_start3A_40, %dma_start3A_41] : memref<10112x128xf32, #tpu.memory_space<vmem_shared>> -> memref<10112x128xf32, #tpu.memory_space<vmem_shared>>
      tpu.enqueue_indirect_dma source(%arg13 : memref<16x128xf32, #tpu.memory_space<vmem>>) target(%dma_start3A_42 : memref<10112x128xf32, #tpu.memory_space<vmem_shared>>) offsets(%arg12 : memref<16xi32, #tpu.memory_space<vmem>>) semaphore(%run_scoped3A : memref<!tpu.dma_semaphore, #tpu.memory_space<semaphore_mem>>) {add = true}
      %dma_wait3A_43 = arith.constant 0 : i32
      %dma_wait3A_44 = arith.constant 0 : i32
      %dma_wait3A_45 = tpu.memref_slice %arg14[%dma_wait3A_43, %dma_wait3A_44] : memref<10112x128xf32, #tpu.memory_space<vmem_shared>> -> memref<10112x128xf32, #tpu.memory_space<vmem_shared>>
      tpu.wait_indirect_dma semaphore(%run_scoped3A : memref<!tpu.dma_semaphore, #tpu.memory_space<semaphore_mem>>) src(%arg13 : memref<16x128xf32, #tpu.memory_space<vmem>>) dst(%dma_wait3A_45 : memref<10112x128xf32, #tpu.memory_space<vmem_shared>>)
      tpu.yield
    }) : () -> ()
    %barrier3A_35 = arith.constant 0 : index
    tpu.barrier barrier_id(%barrier3A_35)
    %mul3A_36 = arith.constant 632 : i32
    %mul3A_37 = arith.muli %arg1, %mul3A_36 : i32
    %mul3A_38 = arith.constant 632 : i32
    %mul3A_39 = arith.muli %arg1, %mul3A_38 : i32
    "tpu.region"() ({
      %run_scoped3A = tpu.sem_alloc : memref<!tpu.dma_semaphore, #tpu.memory_space<semaphore_mem>>
      %dma_start3A_40 = arith.constant 0 : i32
      %dma_start3A_41 = tpu.memref_slice %arg6[%arg0, %mul3A_39, %dma_start3A_40] : memref<2x10112x128xf32, #tpu.memory_space<hbm>> -> memref<1x632x128xf32, #tpu.memory_space<hbm>>
      %dma_start3A_42 = tpu.memref_squeeze %dma_start3A_41 : memref<1x632x128xf32, #tpu.memory_space<hbm>> -> memref<632x128xf32, #tpu.memory_space<hbm>>
      %dma_start3A_43 = arith.constant 0 : i32
      %dma_start3A_44 = tpu.memref_slice %arg14[%mul3A_37, %dma_start3A_43] : memref<10112x128xf32, #tpu.memory_space<vmem_shared>> -> memref<632x128xf32, #tpu.memory_space<vmem_shared>>
      tpu.enqueue_dma source(%dma_start3A_44 : memref<632x128xf32, #tpu.memory_space<vmem_shared>>) target(%dma_start3A_42 : memref<632x128xf32, #tpu.memory_space<hbm>>) target_semaphore(%run_scoped3A : memref<!tpu.dma_semaphore, #tpu.memory_space<semaphore_mem>>)
      %dma_wait3A_45 = arith.constant 0 : i32
      %dma_wait3A_46 = tpu.memref_slice %arg6[%arg0, %mul3A_39, %dma_wait3A_45] : memref<2x10112x128xf32, #tpu.memory_space<hbm>> -> memref<1x632x128xf32, #tpu.memory_space<hbm>>
      %dma_wait3A_47 = tpu.memref_squeeze %dma_wait3A_46 : memref<1x632x128xf32, #tpu.memory_space<hbm>> -> memref<632x128xf32, #tpu.memory_space<hbm>>
      %dma_wait3A_48 = arith.constant 0 : i32
      %dma_wait3A_49 = tpu.memref_slice %arg14[%mul3A_37, %dma_wait3A_48] : memref<10112x128xf32, #tpu.memory_space<vmem_shared>> -> memref<632x128xf32, #tpu.memory_space<vmem_shared>>
      tpu.wait_dma2 semaphore(%run_scoped3A : memref<!tpu.dma_semaphore, #tpu.memory_space<semaphore_mem>>) src(%dma_wait3A_49 : memref<632x128xf32, #tpu.memory_space<vmem_shared>>) dst(%dma_wait3A_47 : memref<632x128xf32, #tpu.memory_space<hbm>>)
      tpu.yield
    }) : () -> ()
    return
  }
}

module attributes {stable_mosaic.version = 14 : i64} {
  func.func @_prep_body(%arg0: memref<10112x128xf32, #tpu.memory_space<vmem>>, %arg1: memref<128x128xf32, #tpu.memory_space<vmem>>, %arg2: memref<32x10112xf32, #tpu.memory_space<vmem>>, %arg3: memref<10112x128xf32, #tpu.memory_space<vmem>>, %arg4: memref<10112x1xf32, #tpu.memory_space<vmem>>) attributes {dimension_semantics = [], scalar_prefetch = 0 : i64, scratch_operands = 0 : i64, tpu.core_type = #tpu.core_type<tc>} {
    %get3A = arith.constant 0 : index
    %get3A_0 = arith.constant 0 : index
    %get3A_1 = vector.load %arg0[%get3A, %get3A_0] : memref<10112x128xf32, #tpu.memory_space<vmem>>, vector<10112x128xf32>
    %reduce_sum3A = arith.constant dense<0.000000e+00> : vector<10112xf32>
    %reduce_sum3A_2 = vector.multi_reduction <add>, %get3A_1, %reduce_sum3A [1] : vector<10112x128xf32> to vector<10112xf32>
    %broadcast_in_dim3A = vector.shape_cast %reduce_sum3A_2 : vector<10112xf32> to vector<10112x1xf32>
    %ne3A = arith.constant 0.000000e+00 : f32
    %ne3A_3 = vector.broadcast %ne3A : f32 to vector<10112x1xf32>
    %ne3A_4 = arith.cmpf one, %broadcast_in_dim3A, %ne3A_3 : vector<10112x1xf32>
    %div3A = arith.constant 1.000000e+00 : f32
    %div3A_5 = vector.broadcast %div3A : f32 to vector<10112x1xf32>
    %div3A_6 = arith.divf %div3A_5, %broadcast_in_dim3A : vector<10112x1xf32>
    %jit3A = arith.constant 0.000000e+00 : f32
    %broadcast_in_dim3A_7 = vector.broadcast %jit3A : f32 to vector<10112x1xf32>
    %select_n3A = arith.select %ne3A_4, %div3A_6, %broadcast_in_dim3A_7 : vector<10112x1xi1>, vector<10112x1xf32>
    %mul3A = vector.broadcast %select_n3A : vector<10112x1xf32> to vector<10112x128xf32>
    %mul3A_8 = arith.mulf %get3A_1, %mul3A : vector<10112x128xf32>
    %get3A_9 = arith.constant 0 : index
    %get3A_10 = arith.constant 0 : index
    %get3A_11 = vector.load %arg2[%get3A_9, %get3A_10] : memref<32x10112xf32, #tpu.memory_space<vmem>>, vector<32x10112xf32>
    %reduce_sum3A_12 = arith.constant dense<0.000000e+00> : vector<10112xf32>
    %reduce_sum3A_13 = vector.multi_reduction <add>, %get3A_11, %reduce_sum3A_12 [0] : vector<32x10112xf32> to vector<10112xf32>
    %broadcast_in_dim3A_14 = vector.shape_cast %reduce_sum3A_13 : vector<10112xf32> to vector<10112x1xf32>
    %add3A = arith.constant 1.000000e+00 : f32
    %add3A_15 = vector.broadcast %add3A : f32 to vector<10112x1xf32>
    %add3A_16 = arith.addf %broadcast_in_dim3A_14, %add3A_15 : vector<10112x1xf32>
    %rsqrt3A = math.rsqrt %add3A_16 : vector<10112x1xf32>
    %get3A_17 = arith.constant 0 : index
    %get3A_18 = arith.constant 0 : index
    %get3A_19 = vector.load %arg1[%get3A_17, %get3A_18] : memref<128x128xf32, #tpu.memory_space<vmem>>, vector<128x128xf32>
    %dot_general3A = arith.constant dense<0.000000e+00> : vector<10112x128xf32>
    %dot_general3A_20 = tpu.matmul %mul3A_8, %get3A_19, %dot_general3A {dimension_numbers = #tpu.dot_dimension_numbers<[1], [0], [0], [1], [0, 0, 1, 1], [], []>, transpose_lhs_hint = false} : vector<10112x128xf32>, vector<128x128xf32>, vector<10112x128xf32> -> vector<10112x128xf32>
    %mul3A_21 = vector.broadcast %rsqrt3A : vector<10112x1xf32> to vector<10112x128xf32>
    %mul3A_22 = arith.mulf %dot_general3A_20, %mul3A_21 : vector<10112x128xf32>
    %swap3A = arith.constant 0 : index
    %swap3A_23 = arith.constant 0 : index
    %swap3A_24 = vector.load %arg3[%swap3A, %swap3A_23] : memref<10112x128xf32, #tpu.memory_space<vmem>>, vector<10112x128xf32>
    tpu.vector_store %arg3[%swap3A, %swap3A_23], %mul3A_22 {strides = array<i32>} : memref<10112x128xf32, #tpu.memory_space<vmem>>, vector<10112x128xf32>,
    %swap3A_25 = arith.constant 0 : index
    %swap3A_26 = arith.constant 0 : index
    %swap3A_27 = vector.load %arg4[%swap3A_25, %swap3A_26] : memref<10112x1xf32, #tpu.memory_space<vmem>>, vector<10112x1xf32>
    tpu.vector_store %arg4[%swap3A_25, %swap3A_26], %rsqrt3A {strides = array<i32>} : memref<10112x1xf32, #tpu.memory_space<vmem>>, vector<10112x1xf32>,
    return
  }
}

module attributes {stable_mosaic.version = 14 : i64} {
  func.func @_mid_body(%arg0: memref<2x10112x128xf32, #tpu.memory_space<vmem>>, %arg1: memref<10112x128xf32, #tpu.memory_space<vmem>>, %arg2: memref<10112x1xf32, #tpu.memory_space<vmem>>, %arg3: memref<1x128xf32, #tpu.memory_space<vmem>>, %arg4: memref<128x128xf32, #tpu.memory_space<vmem>>, %arg5: memref<10112x128xf32, #tpu.memory_space<vmem>>) attributes {dimension_semantics = [], scalar_prefetch = 0 : i64, scratch_operands = 0 : i64, tpu.core_type = #tpu.core_type<tc>} {
    %get3A = arith.constant 0 : index
    %get3A_0 = arith.constant 0 : index
    %get3A_1 = vector.load %arg2[%get3A, %get3A_0] : memref<10112x1xf32, #tpu.memory_space<vmem>>, vector<10112x1xf32>
    %get3A_2 = arith.constant 0 : index
    %get3A_3 = arith.constant 0 : index
    %get3A_4 = arith.constant 0 : index
    %get3A_5 = vector.load %arg0[%get3A_2, %get3A_3, %get3A_4] : memref<2x10112x128xf32, #tpu.memory_space<vmem>>, vector<1x10112x128xf32>
    %get3A_6 = vector.shape_cast %get3A_5 : vector<1x10112x128xf32> to vector<10112x128xf32>
    %get3A_7 = arith.constant 1 : index
    %get3A_8 = arith.constant 0 : index
    %get3A_9 = arith.constant 0 : index
    %get3A_10 = vector.load %arg0[%get3A_7, %get3A_8, %get3A_9] : memref<2x10112x128xf32, #tpu.memory_space<vmem>>, vector<1x10112x128xf32>
    %get3A_11 = vector.shape_cast %get3A_10 : vector<1x10112x128xf32> to vector<10112x128xf32>
    %add3A = arith.addf %get3A_6, %get3A_11 : vector<10112x128xf32>
    %get3A_12 = arith.constant 0 : index
    %get3A_13 = arith.constant 0 : index
    %get3A_14 = vector.load %arg1[%get3A_12, %get3A_13] : memref<10112x128xf32, #tpu.memory_space<vmem>>, vector<10112x128xf32>
    %add3A_15 = arith.addf %add3A, %get3A_14 : vector<10112x128xf32>
    %mul3A = vector.broadcast %get3A_1 : vector<10112x1xf32> to vector<10112x128xf32>
    %mul3A_16 = arith.mulf %add3A_15, %mul3A : vector<10112x128xf32>
    %get3A_17 = arith.constant 0 : index
    %get3A_18 = arith.constant 0 : index
    %get3A_19 = vector.load %arg3[%get3A_17, %get3A_18] : memref<1x128xf32, #tpu.memory_space<vmem>>, vector<1x128xf32>
    %add3A_20 = vector.broadcast %get3A_19 : vector<1x128xf32> to vector<10112x128xf32>
    %add3A_21 = arith.addf %mul3A_16, %add3A_20 : vector<10112x128xf32>
    %max3A = arith.constant 0.000000e+00 : f32
    %max3A_22 = vector.broadcast %max3A : f32 to vector<10112x128xf32>
    %max3A_23 = arith.maximumf %add3A_21, %max3A_22 : vector<10112x128xf32>
    %get3A_24 = arith.constant 0 : index
    %get3A_25 = arith.constant 0 : index
    %get3A_26 = vector.load %arg4[%get3A_24, %get3A_25] : memref<128x128xf32, #tpu.memory_space<vmem>>, vector<128x128xf32>
    %dot_general3A = arith.constant dense<0.000000e+00> : vector<10112x128xf32>
    %dot_general3A_27 = tpu.matmul %max3A_23, %get3A_26, %dot_general3A {dimension_numbers = #tpu.dot_dimension_numbers<[1], [0], [0], [1], [0, 0, 1, 1], [], []>, transpose_lhs_hint = false} : vector<10112x128xf32>, vector<128x128xf32>, vector<10112x128xf32> -> vector<10112x128xf32>
    %mul3A_28 = vector.broadcast %get3A_1 : vector<10112x1xf32> to vector<10112x128xf32>
    %mul3A_29 = arith.mulf %dot_general3A_27, %mul3A_28 : vector<10112x128xf32>
    %swap3A = arith.constant 0 : index
    %swap3A_30 = arith.constant 0 : index
    %swap3A_31 = vector.load %arg5[%swap3A, %swap3A_30] : memref<10112x128xf32, #tpu.memory_space<vmem>>, vector<10112x128xf32>
    tpu.vector_store %arg5[%swap3A, %swap3A_30], %mul3A_29 {strides = array<i32>} : memref<10112x128xf32, #tpu.memory_space<vmem>>, vector<10112x128xf32>,
    return
  }
}

module attributes {stable_mosaic.version = 14 : i64} {
  func.func @_fin_body(%arg0: memref<2x10112x128xf32, #tpu.memory_space<vmem>>, %arg1: memref<10112x128xf32, #tpu.memory_space<vmem>>, %arg2: memref<10112x1xf32, #tpu.memory_space<vmem>>, %arg3: memref<1x128xf32, #tpu.memory_space<vmem>>, %arg4: memref<10112x128xf32, #tpu.memory_space<vmem>>) attributes {dimension_semantics = [], scalar_prefetch = 0 : i64, scratch_operands = 0 : i64, tpu.core_type = #tpu.core_type<tc>} {
    %get3A = arith.constant 0 : index
    %get3A_0 = arith.constant 0 : index
    %get3A_1 = arith.constant 0 : index
    %get3A_2 = vector.load %arg0[%get3A, %get3A_0, %get3A_1] : memref<2x10112x128xf32, #tpu.memory_space<vmem>>, vector<1x10112x128xf32>
    %get3A_3 = vector.shape_cast %get3A_2 : vector<1x10112x128xf32> to vector<10112x128xf32>
    %get3A_4 = arith.constant 1 : index
    %get3A_5 = arith.constant 0 : index
    %get3A_6 = arith.constant 0 : index
    %get3A_7 = vector.load %arg0[%get3A_4, %get3A_5, %get3A_6] : memref<2x10112x128xf32, #tpu.memory_space<vmem>>, vector<1x10112x128xf32>
    %get3A_8 = vector.shape_cast %get3A_7 : vector<1x10112x128xf32> to vector<10112x128xf32>
    %add3A = arith.addf %get3A_3, %get3A_8 : vector<10112x128xf32>
    %get3A_9 = arith.constant 0 : index
    %get3A_10 = arith.constant 0 : index
    %get3A_11 = vector.load %arg1[%get3A_9, %get3A_10] : memref<10112x128xf32, #tpu.memory_space<vmem>>, vector<10112x128xf32>
    %add3A_12 = arith.addf %add3A, %get3A_11 : vector<10112x128xf32>
    %get3A_13 = arith.constant 0 : index
    %get3A_14 = arith.constant 0 : index
    %get3A_15 = vector.load %arg2[%get3A_13, %get3A_14] : memref<10112x1xf32, #tpu.memory_space<vmem>>, vector<10112x1xf32>
    %mul3A = vector.broadcast %get3A_15 : vector<10112x1xf32> to vector<10112x128xf32>
    %mul3A_16 = arith.mulf %add3A_12, %mul3A : vector<10112x128xf32>
    %get3A_17 = arith.constant 0 : index
    %get3A_18 = arith.constant 0 : index
    %get3A_19 = vector.load %arg3[%get3A_17, %get3A_18] : memref<1x128xf32, #tpu.memory_space<vmem>>, vector<1x128xf32>
    %add3A_20 = vector.broadcast %get3A_19 : vector<1x128xf32> to vector<10112x128xf32>
    %add3A_21 = arith.addf %mul3A_16, %add3A_20 : vector<10112x128xf32>
    %swap3A = arith.constant 0 : index
    %swap3A_22 = arith.constant 0 : index
    %swap3A_23 = vector.load %arg4[%swap3A, %swap3A_22] : memref<10112x128xf32, #tpu.memory_space<vmem>>, vector<10112x128xf32>
    tpu.vector_store %arg4[%swap3A, %swap3A_22], %add3A_21 {strides = array<i32>} : memref<10112x128xf32, #tpu.memory_space<vmem>>, vector<10112x128xf32>,
    return
  }
}

</mosaic_0001>

<sc_bundles>
// kernel: kernel.11.cloned.1.call-start
scs
__scs_entry_jumppad:
0x0: {  	(pc) =	sbr.rel $0x88, $3  }
0x1: {  	(tag) =	ssettag $0x0;
	lr =	simm.s32 $0x1  }
0x2: {  	[smem:$0x3F9B] =	sst lr;
	_ =	strace $0xD0000000  }
0x3: {  	_ = 	snop  }
0x4: {  	_ = 	snop  }
0x5: {  	_ = 	snop  }
0x6: {  	_ = 	snop  }
0x7: {  	_ = 	snop  }
__scs_overlays_trampoline_lowered:
0x8: {  	[smem:$0x3FAA] =	sst s0  }
0x9: {  	[smem:$0x3FAB] =	sst s1  }
0xa: {  	[smem:$0x3FAC] =	sst s2  }
0xb: {  	[smem:$0x3FAD] =	sst s3  }
0xc: {  	[smem:$0x3FAE] =	sst s4  }
0xd: {  	[smem:$0x3FAF] =	sst s5  }
0xe: {  	[smem:$0x3FB0] =	sst s6  }
0xf: {  	[smem:$0x3FB1] =	sst s7  }
0x10: {  	[smem:$0x3FB2] =	sst s8  }
0x11: {  	[smem:$0x3FB3] =	sst s9;
	s0 =	simm.s32 @!p0 $0x0  }
0x12: {  	s1 =	sld [smem:$0x3F99];
	s0 =	simm.s32 @p0 $0x1  }
0x13: {  	[smem:$0x3FB4] =	sst s0;
	s0 =	simm.s32 @!p1 $0x0  }
0x14: {  	s2 =	sld [smem:$0x3F98];
	s0 =	simm.s32 @p1 $0x1  }
0x15: {  	[smem:$0x3FB5] =	sst s0;
	s0 =	simm.s32 @!p2 $0x0  }
0x16: {  	s3 =	sld [smem:$0x3FDB];
	s0 =	simm.s32 @p2 $0x1  }
0x17: {  	s4 =	simm.s32 $0x1BF5;
	[smem:$0x3FB7] =	sst s0  }
0x18: {  	s0 =	sld [smem:$0x3F9A];
	_ =	swait.ge [sflag:s4], $0x0  }
0x19: {  	s7 =	sld [smem:$0x3F9B]  }
0x1a: {  	s8 =	sadd.s32 $0xFFFFE003, lr  }
0x1b: {  	s9 =	sadd.s32 $0xFFFFFEF7, lr;
	s5 =	simm.s32 $0xFFFFFFFF;
	p2 =	slt.u32 s8, $0xFFFFF086  }
0x1c: {  	p1 =	slt.u32 s9, $0xF7A;
	s5 =	simm.s32 @!p2 $0x0  }
0x1d: {  	s5 =	simm.s32 @p1 $0x1;
	p0 =	seq.s32 s7, s2  }
0x1e: {  	s7 =	smul.u32 @!p0 $0xF7A, s2;
	p2 =	seq.s32 @!p0 s5, $0x0  }
0x1f: {  	s9 =	smul.u32 $0xF7A, s1;
	s8 =	simm.s32 @!p0 $0x1BF5;
	p2 =	por !p2, p0  }
0x20: {  	[sflag:s8] =	ssyncset.s32 @!p0 $0xFFFFF086;
	s6 =	sadd.s32 @!p0 s3, s7;
	s7 =	simm.s32 @!p0 $0x108  }
0x21: {  	s3 =	sadd.s32 s3, s9;
	s6 =	sadd.s32 @!p0 $0x88, s6;
	s7 =	simm.s32 @p2 $0x1082  }
0x22: {  	[simem:s7], [sflag:s8] =	dma.local @!p0 [hbm:s6], $0xF7A  }
0x23: {  	s9 =	sor.u32 $0xD0000000, s2;
	s6 =	simm.s32 $0x108;
	_ =	swait.ge @!p0 [sflag:s8], $0x0  }
0x24: {  	s3 =	sadd.s32 $0x88, s3;
	s6 =	simm.s32 @!p1 $0x1082;
	[sflag:s4] =	ssyncset.s32 $0xFFFFF086  }
0x25: {  	[simem:s6], [sflag:s4] =	dma.local [hbm:s3], $0xF7A  }
0x26: {  	[smem:$0x3F9B] =	sst s1;
	(tag) =	ssettag s2;
	_ =	strace s9  }
0x27: {  	s1 =	sld [smem:$0x3FAB]  }
0x28: {  	s2 =	sld [smem:$0x3FAC]  }
0x29: {  	s4 =	sld [smem:$0x3FAE]  }
0x2a: {  	p0 =	seq.s32 s5, $0x0;
	s5 =	sld [smem:$0x3FAF]  }
0x2b: {  	s6 =	sld [smem:$0x3FB0]  }
0x2c: {  	s7 =	sld [smem:$0x3FB1]  }
0x2d: {  	s3 =	simm.s32 $0x108;
	s8 =	sld [smem:$0x3FB2]  }
0x2e: {  	s3 =	simm.s32 @!p0 $0x1082;
	s9 =	sld [smem:$0x3FB3]  }
0x2f: {  	lr =	sadd.s32 s0, s3;
	s0 =	sld [smem:$0x3FAA]  }
0x30: {  	s3 =	sld [smem:$0x3FAD]  }
0x31: {  	[smem:$0x3FB6] =	sst s10  }
0x32: {  	s10 =	sld [smem:$0x3FB4];
	_ =	sdelay $0x3  }
0x33: {  	p0 =	seq.s32 s10, $0x1;
	s10 =	sld [smem:$0x3FB6];
	_ =	sdelay $0x3  }
0x34: {  	[smem:$0x3FB6] =	sst s10  }
0x35: {  	s10 =	sld [smem:$0x3FB5];
	_ =	sdelay $0x3  }
0x36: {  	p1 =	seq.s32 s10, $0x1;
	s10 =	sld [smem:$0x3FB6];
	_ =	sdelay $0x3  }
0x37: {  	[smem:$0x3FB6] =	sst s10  }
0x38: {  	s10 =	sld [smem:$0x3FB7]  }
0x39: {  	_ = 	snop;
	(pc) =	sbr.ind lr, $3  }
0x3a: {  	_ = 	snop  }
0x3b: {  	_ = 	snop  }
0x3c: {  	p2 =	seq.s32 s10, $0x1;
	s10 =	sld [smem:$0x3FB6]  }
0x3d: {  	_ =	shalt  }
0x3e: {  	_ =	shalt  }
0x3f: {  	_ =	shalt  }
0x40: {  	_ =	shalt  }
0x41: {  	_ =	shalt  }
0x42: {  	_ =	shalt  }
0x43: {  	_ =	shalt  }
0x44: {  	_ =	shalt  }
0x45: {  	_ =	shalt  }
0x46: {  	_ =	shalt  }
0x47: {  	_ =	shalt  }
0x48: {  	_ =	shalt  }
0x49: {  	_ =	shalt  }
0x4a: {  	_ =	shalt  }
0x4b: {  	_ =	shalt  }
0x4c: {  	_ =	shalt  }
0x4d: {  	_ =	shalt  }
0x4e: {  	_ =	shalt  }
0x4f: {  	_ =	shalt  }
0x50: {  	_ =	shalt  }
0x51: {  	_ =	shalt  }
0x52: {  	_ =	shalt  }
0x53: {  	_ =	shalt  }
0x54: {  	_ =	shalt  }
0x55: {  	_ =	shalt  }
0x56: {  	_ =	shalt  }
0x57: {  	_ =	shalt  }
0x58: {  	_ =	shalt  }
0x59: {  	_ =	shalt  }
0x5a: {  	_ =	shalt  }
0x5b: {  	_ =	shalt  }
0x5c: {  	_ =	shalt  }
0x5d: {  	_ =	shalt  }
0x5e: {  	_ =	shalt  }
0x5f: {  	_ =	shalt  }
0x60: {  	_ =	shalt  }
0x61: {  	_ =	shalt  }
0x62: {  	_ =	shalt  }
0x63: {  	_ =	shalt  }
0x64: {  	_ =	shalt  }
0x65: {  	_ =	shalt  }
0x66: {  	_ =	shalt  }
0x67: {  	_ =	shalt  }
0x68: {  	_ =	shalt  }
0x69: {  	_ =	shalt  }
0x6a: {  	_ =	shalt  }
0x6b: {  	_ =	shalt  }
0x6c: {  	_ =	shalt  }
0x6d: {  	_ =	shalt  }
0x6e: {  	_ =	shalt  }
0x6f: {  	_ =	shalt  }
0x70: {  	_ =	shalt  }
0x71: {  	_ =	shalt  }
0x72: {  	_ =	shalt  }
0x73: {  	_ =	shalt  }
0x74: {  	_ =	shalt  }
0x75: {  	_ =	shalt  }
0x76: {  	_ =	shalt  }
0x77: {  	_ =	shalt  }
0x78: {  	_ =	shalt  }
0x79: {  	_ =	shalt  }
0x7a: {  	_ =	shalt  }
0x7b: {  	_ =	shalt  }
0x7c: {  	_ =	shalt  }
0x7d: {  	_ =	shalt  }
0x7e: {  	_ =	shalt  }
0x7f: {  	_ =	shalt  }
0x80: {  	_ =	shalt  }
0x81: {  	_ =	shalt  }
0x82: {  	_ =	shalt  }
0x83: {  	_ =	shalt  }
0x84: {  	_ =	shalt  }
0x85: {  	_ =	shalt  }
0x86: {  	_ =	shalt  }
0x87: {  	_ =	shalt  }
.Lfunc_end0:
.L_simem_size_0:
called_computation.1_lowered:
.L_overlay_start_0:
0x88: {  	s2 =	sld [smem:$0x3FD9]  }
0x89: {  	s3 =	sld [smem:$0x3FFE];
	_ =	sdelay $0x1  }
0x8a: {  	s1 =	srdreg.scid  }
0x8b: {  	s0 =	sand.u32 $0x1, s1  }
0x8c: {  	s17 =	sshll.u32 s0, $0xA;
	s2 =	sadd.s32 s3, s2  }
0x8d: {  	s2 =	sadd.s32 s2, s17  }
0x8e: {  	[smem:$0x3FC2] =	sst s2  }
0x8f: {  	_ = 	snop  }
0x90: {  	s2 =	sld [smem:$0x3FD0];
	(tm) =	ssettm $0x1  }
0x91: {  	s18 =	sld [smem:$0x3FFB];
	_ =	sdelay $0x3  }
0x92: {  	_ =	strace s18  }
0x93: {  	s3 =	sld [smem:$0x3FFC];
	_ =	sdelay $0x3  }
0x94: {  	_ =	strace s3  }
0x95: {  	s3 =	sld [smem:$0x3FFD];
	_ =	sdelay $0x3  }
0x96: {  	_ =	strace s3  }
0x97: {  	_ =	strace $0x8FFFFFFF  }
0x98: {  	s19 =	sld [smem:$0x3FDB];
	_ =	sdelay $0x1  }
0x99: {  	s4 =	simm.s32 $_scs_section_size  }
0x9a: {  	s5 =	simm.s32 $_size__tile_overlayer_lowered;
	s6 =	simm.s32 $_tile_overlayer_lowered  }
0x9b: {  	s22 =	simm.s32 $0x1BFF;
	s21 =	sshll.u32 s6, $0x1;
	s3 =	sadd.s32 s4, s19  }
0x9c: {  	s7 =	simm.s32 $0x0;
	s20 =	sshll.u32 s5, $0x1;
	s5 =	sadd.s32 s21, s3  }
0x9d: {  	[timem:s7], [sflag:s22] =	dma.local [hbm:s5], s20  }
0x9e: {  	_ =	swait.ge [sflag:s22], s20  }
0x9f: {  	s4 =	ssub.s32 $0x0, s20;
	[sflag:s22] =	ssyncset.done $0x0  }
0xa0: {  	[sflag:s22] =	ssyncadd.s32 s4;
	_ =	sdelay $0x1  }
0xa1: {  	s23 =	simm.s32 $0x1B8B  }
0xa2: {  	_ =	swait.ge [sflag:s23], $0x1  }
0xa3: {  	[sflag:s23] =	ssyncset.done $0x0  }
0xa4: {  	s25 =	simm.s32 $0x1B8E;
	s24 =	sld [smem:$0x3FFE];
	[sflag:s23] =	ssyncadd.s32 $0xFFFFFFFF  }
0xa5: {  	s26 =	simm.s32 $execute0_lowered;
	[smem:$0x3FD2] =	sst s25  }
0xa6: {  	s5 =	sshll.u32 s26, $0x1;
	_ =	strace $0x80000049;
	[dreg:$0x1] =	wrdreg $0xFFFFFFFF  }
0xa7: {  	s28 =	simm.s32 $_size_execute0_lowered;
	s3 =	sadd.s32 s3, s5;
	[dreg:$0x0] =	wrdreg $0x0  }
0xa8: {  	s5 =	sshll.u32 s28, $0x1;
	[dreg:$0x2] =	wrdreg s3  }
0xa9: {  	[dreg:$0x3] =	wrdreg s5  }
0xaa: {  	[dreg:$0x4] =	wrdreg $0xC0  }
0xab: {  	_ =	task [dreg:s7], $0x5FFFF  }
0xac: {  	[dreg:$0x1] =	wrdreg $0xFFFFFFFF  }
0xad: {  	[dreg:$0x0] =	wrdreg $0x60  }
0xae: {  	[dreg:$0x2] =	wrdreg s24  }
0xaf: {  	[dreg:$0x3] =	wrdreg s2  }
0xb0: {  	[dreg:$0x4] =	wrdreg $0xB1000  }
0xb1: {  	[dreg:$0x5] =	wrdreg $0x9  }
0xb2: {  	_ =	task.clear_ibuf [dreg:s7], $0x6FFFF;
	_ =	strace $0x90000049  }
0xb3: {  	s29 =	simm.s32 $0x9;
	_ =	strace $0x8000004B  }
0xb4: {  	_ =	swait.ge [sflag:s29], $0x1  }
0xb5: {  	[sflag:s29] =	ssyncadd.s32 $0xFFFFFFFF  }
0xb6: {  	_ =	strace $0x9000004B  }
0xb7: {  	_ =	sfence  }
0xb8: {  	s30 =	sld [smem:$0x0];
	_ =	sdelay $0x2  }
0xb9: {  	s31 =	sshll.u32 s1, $0xD;
	s1 =	sshrl.u32 s1, $0x2  }
0xba: {  	s3 =	sand.u32 $0x4000, s31;
	s1 =	sadd.s32 s1, s30  }
0xbb: {  	s0 =	sor.u32 s3, s0;
	s1 =	sshll.u32 s1, $0x11  }
0xbc: {  	s0 =	sor.u32 s1, s0  }
0xbd: {  	s0 =	sadd.s32 $0x8F2B, s0  }
0xbe: {  	[sflag:s0] =	ssyncadd.remote.s32 $0x1  }
0xbf: {  	_ =	sfence.sel $0xFFFF  }
0xc0: {  	[dreg:$0x0] =	wrdreg $0xFFFFFFFF;
	(pc) =	sbr.abs _section_cstart, $3  }
0xc1: {  	[dreg:$0x1] =	wrdreg $0xFFFFFFFF  }
0xc2: {  	_ =	task.clear_ibuf [dreg:s7], $0x2FFFF;
	_ =	strace $0x9FFFFFFF  }
0xc3: {  	(tm) =	ssettm $0x7FFFFFFF  }
tec
execute0_lowered:
.L_overlay_start_1:
0x0: {  	(tag) =	ssettag $0x1  }
0x1: {  	s0 =	srdreg.scid  }
0x2: {  	s10 =	stileid.u32;
	s1 =	rddreg [dreg:$0x0]  }
0x3: {  	s3 =	rddreg [dreg:$0x2];
	s4 =	simm.s32 $0x0;
	s18 =	simm.s32 $0x7  }
0x4: {  	s19 =	simm.s32 $0x2780;
	s29 =	simm.s32 $0x2;
	s30 =	simm.s32 $0x4  }
0x5: {  	s31 =	simm.s32 $0x6;
	s28 =	simm.s32 $0x0;
	s7 =	smul.u32 $0x13C00, s10  }
0x6: {  	s0 =	sand.u32 $0x1, s0;
	s2 =	sshll.u32 s10, $0x1;
	s9 =	smul.u32 $0x4F000, s10  }
0x7: {  	[smem:$0x7FF] =	sst s4;
	s5 =	sadd.s32 $0x15C00, s1;
	s23 =	smul.u32 $0x4E20, s10  }
0x8: {  	s16 =	sadd.s32 $0xBE00, s1;
	s24 =	sshll.u32 s10, $0x6;
	s6 =	smul.u32 $0x13C000, s0  }
0x9: {  	s2 =	sor.u32 s0, s2;
	s20 =	ssub.s32 $0x2, s0;
	s0 =	smul.u32 $0x2710, s0  }
0xa: {  	_ =	strace $0x8000004A;
	s2 =	smul.u32 $0x2710, s2;
	s21 =	sshrl.u32 s20, $0x1  }
0xb: {  	s22 =	sshrl.u32 s9, $0x2;
	s6 =	sadd.s32 s7, s6;
	s7 =	ssub.s32 s20, s21  }
0xc: {  	s17 =	sadd.s32 s22, s3;
	s0 =	sadd.s32 s0, s23;
	s20 =	simm.s32 $0x80  }
0xd: {  	s21 =	simm.s32 $0x2880;
	s22 =	simm.s32 $0x2800;
	s23 =	simm.s32 $0x6880  }
0xe: {  	s2 =	sshrl.u32 s2, $0x3;
	s6 =	sshrl.u32 s6, $0x3;
	s25 =	smax.u32 s7, $0x1  }
0xf: {  	s26 =	sadd.s32 $0x180, s0;
	s0 =	sadd.s32 $0x200, s0;
	s17 =	sshrl.u32 s17, $0x3  }
0x10: {  	s8 =	sadd.s32 s2, s1;
	s1 =	sadd.s32 s6, s1;
	s6 =	sor.u32 $0x1C07, s24  }
0x11: {  	[dreg:$0x7] =	wrdreg s25;
	s0 =	sshrl.u32 s0, $0x3;
	s8 =	sadd.s32 $0x2000, s8  }
0x12: {  	s24 =	simm.s32 $0x1;
	s1 =	sadd.s32 $0x3D400, s1;
	[dreg:$0x4] =	wrdreg s8  }
0x13: {  	s25 =	simm.s32 $0x3;
	s8 =	sadd.s32 s16, s2;
	[dreg:$0x6] =	wrdreg s1  }
0x14: {  	s1 =	sshrl.u32 s26, $0x3;
	s26 =	simm.s32 $0x5;
	s2 =	sadd.s32 $0x4E0, s8  }
0x15: {  	s12 =	sadd.s32 $0x10, s8;
	s13 =	sadd.s32 $0x20, s8;
	s14 =	sadd.s32 $0x4D0, s8  }
0x16: {  	s15 =	sadd.s32 s1, s16;
	s16 =	sadd.s32 s0, s16;
	s0 =	simm.s32 $0xA880  }
0x17: {  	s1 =	simm.s32 $0xA900;
	[dreg:$0x5] =	wrdreg s2;
	s2 =	simm.s32 $0x10  }
.LBB2_1:
0x18: {  	s7 =	rddreg [dreg:$0x1]  }
0x19: {  	[spmem:s17], [sflag:s6] =	dma.local [hbm:s7], $0x2780  }
0x1a: {  	_ =	swait.ge [sflag:s18], $0x2780  }
0x1b: {  	[sflag:s18] =	ssyncset.done $0x0  }
0x1c: {  	s9 =	rddreg [dreg:$0x4];
	[sflag:s18] =	ssyncadd.s32 $0xFFFFD880  }
0x1d: {  	[tilespmem:s4], [sflag:$0x7] =	stream.linear.gather [hbm4b:s9+s4], $0x2710, $0x38;
	[tilespmem:$0x1ED00] =	vst v63  }
0x1e: {  	_ =	swait.ge [sflag:s18], $0x2710  }
0x1f: {  	[sflag:s18] =	ssyncset.done $0x0  }
0x20: {  	[sflag:s18] =	ssyncadd.s32 $0xFFFFD8F0  }
0x21: {  	[bflag:$0x0] =	sbarrier.arrive $0xFFFF  }
0x22: {  	[tilespmem:s19], [sflag:$0x1] =	stream.linear.gather [hbm4b:s8+s4], $0x80, $0x38;
	[tilespmem:$0x1ED00] =	vst v63  }
0x23: {  	_ = 	snop  }
0x24: {  	[tilespmem:s21], [sflag:$0x3] =	stream.indirect.gather [hbm4b:s5+s20], $0x80, s4, s20, $0xb8;
	[tilespmem:$0x1ED00] =	vst v63  }
0x25: {  	_ = 	snop  }
0x26: {  	[tilespmem:s22], [sflag:$0x2] =	stream.linear.gather [hbm4b:s12+s4], $0x80, $0x38;
	[tilespmem:$0x1ED00] =	vst v63  }
0x27: {  	_ = 	snop  }
0x28: {  	[tilespmem:s23], [sflag:$0x4] =	stream.indirect.gather [hbm4b:s5+s20], $0x80, s20, s20, $0xb8;
	[tilespmem:$0x1ED00] =	vst v63  }
0x29: {  	_ =	swait.ge [sflag:s24], $0x80  }
0x2a: {  	[sflag:s24] =	ssyncset.done $0x0  }
0x2b: {  	[sflag:s24] =	ssyncadd.s32 $0xFFFFFF80  }
0x2c: {  	_ =	swait.ge [sflag:s25], $0x4000  }
0x2d: {  	[sflag:s25] =	ssyncset.done $0x0  }
0x2e: {  	[sflag:s25] =	ssyncadd.s32 $0xFFFFC000  }
0x2f: {  	[spmem:s3] =	stream.indirect.scatter.add.f32 [tilespmem:s21], [sflag:$0x5], $0x80, s19, s20, $0xb8;
	[tilespmem:$0x1ED00] =	vst v63  }
0x30: {  	_ =	swait.ge [sflag:s26], $0x4000  }
0x31: {  	[sflag:s26] =	ssyncset.done $0x0  }
0x32: {  	[sflag:s26] =	ssyncadd.s32 $0xFFFFC000  }
0x33: {  	[tilespmem:s19], [sflag:$0x1] =	stream.linear.gather [hbm4b:s13+s4], $0x80, $0x38;
	[tilespmem:$0x1ED00] =	vst v63  }
0x34: {  	s10 =	simm.s32 $0x100  }
0x35: {  	[tilespmem:s21], [sflag:$0x3] =	stream.indirect.gather [hbm4b:s5+s20], $0x80, s10, s20, $0xb8;
	[tilespmem:$0x1ED00] =	vst v63  }
0x36: {  	_ =	swait.ge [sflag:s29], $0x80  }
0x37: {  	[sflag:s29] =	ssyncset.done $0x0  }
0x38: {  	[sflag:s29] =	ssyncadd.s32 $0xFFFFFF80  }
0x39: {  	_ =	swait.ge [sflag:s30], $0x4000  }
0x3a: {  	[sflag:s30] =	ssyncset.done $0x0  }
0x3b: {  	[sflag:s30] =	ssyncadd.s32 $0xFFFFC000  }
0x3c: {  	[spmem:s3] =	stream.indirect.scatter.add.f32 [tilespmem:s23], [sflag:$0x6], $0x80, s22, s20, $0xb8;
	[tilespmem:$0x1ED00] =	vst v63  }
0x3d: {  	_ =	swait.ge [sflag:s31], $0x4000  }
0x3e: {  	[sflag:s31] =	ssyncset.done $0x0  }
0x3f: {  	s11 =	sadd.s32 $0x0, s15;
	[sflag:s31] =	ssyncadd.s32 $0xFFFFC000  }
0x40: {  	[tilespmem:s22], [sflag:$0x2] =	stream.linear.gather [hbm4b:s11+s4], $0x80, $0x38;
	[tilespmem:$0x1ED00] =	vst v63  }
0x41: {  	s9 =	simm.s32 $0x180  }
0x42: {  	[tilespmem:s23], [sflag:$0x4] =	stream.indirect.gather [hbm4b:s5+s20], $0x80, s9, s20, $0xb8;
	[tilespmem:$0x1ED00] =	vst v63  }
0x43: {  	_ =	swait.ge [sflag:s24], $0x80  }
0x44: {  	[sflag:s24] =	ssyncset.done $0x0  }
0x45: {  	[sflag:s24] =	ssyncadd.s32 $0xFFFFFF80  }
0x46: {  	_ =	swait.ge [sflag:s25], $0x4000  }
0x47: {  	[sflag:s25] =	ssyncset.done $0x0  }
0x48: {  	[sflag:s25] =	ssyncadd.s32 $0xFFFFC000  }
0x49: {  	[spmem:s3] =	stream.indirect.scatter.add.f32 [tilespmem:s21], [sflag:$0x5], $0x80, s19, s20, $0xb8;
	[tilespmem:$0x1ED00] =	vst v63  }
0x4a: {  	_ =	swait.ge [sflag:s26], $0x4000  }
0x4b: {  	[sflag:s26] =	ssyncset.done $0x0  }
0x4c: {  	s10 =	sadd.s32 $0x0, s16;
	[sflag:s26] =	ssyncadd.s32 $0xFFFFC000  }
0x4d: {  	[tilespmem:s19], [sflag:$0x1] =	stream.linear.gather [hbm4b:s10+s4], $0x80, $0x38;
	[tilespmem:$0x1ED00] =	vst v63  }
0x4e: {  	s11 =	simm.s32 $0x200  }
0x4f: {  	[tilespmem:s21], [sflag:$0x3] =	stream.indirect.gather [hbm4b:s5+s20], $0x80, s11, s20, $0xb8;
	[tilespmem:$0x1ED00] =	vst v63  }
0x50: {  	_ =	swait.ge [sflag:s29], $0x80  }
0x51: {  	[sflag:s29] =	ssyncset.done $0x0  }
0x52: {  	[sflag:s29] =	ssyncadd.s32 $0xFFFFFF80  }
0x53: {  	_ =	swait.ge [sflag:s30], $0x4000  }
0x54: {  	[sflag:s30] =	ssyncset.done $0x0  }
0x55: {  	s7 =	simm.s32 $0x20;
	s9 =	simm.s32 $0x280;
	[sflag:s30] =	ssyncadd.s32 $0xFFFFC000  }
.LBB2_2:
0x56: {  	[spmem:s3] =	stream.indirect.scatter.add.f32 [tilespmem:s23], [sflag:$0x6], $0x80, s22, s20, $0xb8;
	[tilespmem:$0x1ED00] =	vst v63  }
0x57: {  	s10 =	smov.u32 s7  }
0x58: {  	p0 =	sne.s32 s7, $0x480;
	s7 =	sadd.s32 $0x20, s7;
	_ =	swait.ge [sflag:s31], $0x4000  }
0x59: {  	[sflag:s31] =	ssyncset.done $0x0  }
0x5a: {  	s11 =	sadd.s32 s10, s15;
	[sflag:s31] =	ssyncadd.s32 $0xFFFFC000  }
0x5b: {  	[tilespmem:s22], [sflag:$0x2] =	stream.linear.gather [hbm4b:s11+s4], $0x80, $0x38;
	[tilespmem:$0x1ED00] =	vst v63  }
0x5c: {  	_ = 	snop  }
0x5d: {  	[tilespmem:s23], [sflag:$0x4] =	stream.indirect.gather [hbm4b:s5+s20], $0x80, s9, s20, $0xb8;
	[tilespmem:$0x1ED00] =	vst v63  }
0x5e: {  	_ =	swait.ge [sflag:s24], $0x80  }
0x5f: {  	[sflag:s24] =	ssyncset.done $0x0  }
0x60: {  	[sflag:s24] =	ssyncadd.s32 $0xFFFFFF80  }
0x61: {  	_ =	swait.ge [sflag:s25], $0x4000  }
0x62: {  	[sflag:s25] =	ssyncset.done $0x0  }
0x63: {  	[sflag:s25] =	ssyncadd.s32 $0xFFFFC000  }
0x64: {  	[spmem:s3] =	stream.indirect.scatter.add.f32 [tilespmem:s21], [sflag:$0x5], $0x80, s19, s20, $0xb8;
	[tilespmem:$0x1ED00] =	vst v63  }
0x65: {  	_ =	swait.ge [sflag:s26], $0x4000  }
0x66: {  	[sflag:s26] =	ssyncset.done $0x0  }
0x67: {  	s10 =	sadd.s32 s10, s16;
	[sflag:s26] =	ssyncadd.s32 $0xFFFFC000  }
0x68: {  	[tilespmem:s19], [sflag:$0x1] =	stream.linear.gather [hbm4b:s10+s4], $0x80, $0x38;
	[tilespmem:$0x1ED00] =	vst v63  }
0x69: {  	s10 =	sadd.s32 $0x80, s9  }
0x6a: {  	[tilespmem:s21], [sflag:$0x3] =	stream.indirect.gather [hbm4b:s5+s20], $0x80, s10, s20, $0xb8;
	[tilespmem:$0x1ED00] =	vst v63  }
0x6b: {  	_ =	swait.ge [sflag:s29], $0x80  }
.Ltmp0:
0x6c: {  	[sflag:s29] =	ssyncset.done $0x0;
	(pc) =	sbr.rel @p0 .LBB2_2-.Ltmp0, $4  }
0x6d: {  	[sflag:s29] =	ssyncadd.s32 $0xFFFFFF80  }
0x6e: {  	_ =	swait.ge [sflag:s30], $0x4000  }
0x6f: {  	[sflag:s30] =	ssyncset.done $0x0  }
0x70: {  	s9 =	sadd.s32 $0x100, s9;
	[sflag:s30] =	ssyncadd.s32 $0xFFFFC000  }
0x71: {  	[spmem:s3] =	stream.indirect.scatter.add.f32 [tilespmem:s23], [sflag:$0x6], $0x80, s22, s20, $0xb8;
	[tilespmem:$0x1ED00] =	vst v63  }
0x72: {  	_ =	swait.ge [sflag:s31], $0x4000  }
0x73: {  	[sflag:s31] =	ssyncset.done $0x0  }
0x74: {  	[sflag:s31] =	ssyncadd.s32 $0xFFFFC000  }
0x75: {  	[tilespmem:s22], [sflag:$0x2] =	stream.linear.gather [hbm4b:s14+s4], $0x80, $0x38;
	[tilespmem:$0x1ED00] =	vst v63  }
0x76: {  	s7 =	simm.s32 $0x2680  }
0x77: {  	[tilespmem:s23], [sflag:$0x4] =	stream.indirect.gather [hbm4b:s5+s20], $0x80, s7, s20, $0xb8;
	[tilespmem:$0x1ED00] =	vst v63  }
0x78: {  	_ =	swait.ge [sflag:s24], $0x80  }
0x79: {  	[sflag:s24] =	ssyncset.done $0x0  }
0x7a: {  	[sflag:s24] =	ssyncadd.s32 $0xFFFFFF80  }
0x7b: {  	_ =	swait.ge [sflag:s25], $0x4000  }
0x7c: {  	[sflag:s25] =	ssyncset.done $0x0  }
0x7d: {  	[sflag:s25] =	ssyncadd.s32 $0xFFFFC000  }
0x7e: {  	[spmem:s3] =	stream.indirect.scatter.add.f32 [tilespmem:s21], [sflag:$0x5], $0x80, s19, s20, $0xb8;
	[tilespmem:$0x1ED00] =	vst v63  }
0x7f: {  	_ =	swait.ge [sflag:s29], $0x80  }
0x80: {  	[sflag:s29] =	ssyncset.done $0x0  }
0x81: {  	[sflag:s29] =	ssyncadd.s32 $0xFFFFFF80  }
0x82: {  	_ =	swait.ge [sflag:s30], $0x4000  }
0x83: {  	[sflag:s30] =	ssyncset.done $0x0  }
0x84: {  	[sflag:s30] =	ssyncadd.s32 $0xFFFFC000  }
0x85: {  	[spmem:s3] =	stream.indirect.scatter.add.f32 [tilespmem:s23], [sflag:$0x6], $0x80, s22, s20, $0xb8;
	[tilespmem:$0x1ED00] =	vst v63  }
0x86: {  	_ =	swait.ge [sflag:s26], $0x4000  }
0x87: {  	[sflag:s26] =	ssyncset.done $0x0  }
0x88: {  	[sflag:s26] =	ssyncadd.s32 $0xFFFFC000  }
0x89: {  	_ =	swait.ge [sflag:s31], $0x4000  }
0x8a: {  	[sflag:s31] =	ssyncset.done $0x0  }
0x8b: {  	s11 =	rddreg [dreg:$0x5];
	[sflag:s31] =	ssyncadd.s32 $0xFFFFC000  }
0x8c: {  	[tilespmem:s0], [sflag:$0x7] =	stream.linear.gather [hbm4b:s11+s4], $0x10, $0x38;
	[tilespmem:$0x1ED00] =	vst v63  }
0x8d: {  	_ =	swait.ge [sflag:s18], $0x10  }
0x8e: {  	[sflag:s18] =	ssyncset.done $0x0  }
0x8f: {  	s9 =	simm.s32 $0x2700;
	[sflag:s18] =	ssyncadd.s32 $0xFFFFFFF0  }
0x90: {  	[tilespmem:s1], [sflag:$0x3] =	stream.indirect.gather [hbm4b:s5+s2], $0x80, s9, s2, $0xb8;
	[tilespmem:$0x1ED00] =	vst v63  }
0x91: {  	_ =	swait.ge [sflag:s25], $0x800  }
0x92: {  	[sflag:s25] =	ssyncset.done $0x0  }
0x93: {  	[sflag:s25] =	ssyncadd.s32 $0xFFFFF800  }
0x94: {  	[spmem:s3] =	stream.indirect.scatter.add.f32 [tilespmem:s1], [sflag:$0x7], $0x80, s0, s2, $0xb8;
	[tilespmem:$0x1ED00] =	vst v63  }
0x95: {  	_ =	swait.ge [sflag:s18], $0x800  }
0x96: {  	[sflag:s18] =	ssyncset.done $0x0  }
0x97: {  	[sflag:s18] =	ssyncadd.s32 $0xFFFFF800  }
0x98: {  	[bflag:$0x0] =	sbarrier.arrive $0xFFFF  }
0x99: {  	s10 =	rddreg [dreg:$0x6]  }
0x9a: {  	[hbm:s10], [sflag:s6] =	dma.local [spmem:s17], $0x2780  }
0x9b: {  	_ =	swait.ge [sflag:s18], $0x2780  }
0x9c: {  	s28 =	sadd.s32 $0x1, s28;
	s11 =	rddreg [dreg:$0x7]  }
0x9d: {  	p0 =	sne.s32 s28, s11  }
.Ltmp1:
0x9e: {  	_ = 	snop;
	(pc) =	sbr.rel @p0 .LBB2_1-.Ltmp1, $3  }
0x9f: {  	_ =	sdelay $0x1  }
0xa0: {  	[sflag:s18] =	ssyncset.done $0x0  }
0xa1: {  	[sflag:s18] =	ssyncadd.s32 $0xFFFFD880  }
0xa2: {  	_ =	sfence.sel $0x180000  }
0xa3: {  	[bflag:$0x0] =	sbarrier.arrive $0xFFFF  }
0xa4: {  	_ =	strace $0x9000004A  }
0xa5: {  	s0 =	stileid.u32;
	[bflag:$0x2] =	sbarrier.arrive $0xFFFF  }
0xa6: {  	p0 =	sne.s32 s0, $0x0;
	s0 =	rddreg [dreg:$0x3]  }
0xa7: {  	s0 =	sadd.s32 @!p0 $0x100000, s0  }
0xa8: {  	[sflag:s0] =	ssyncadd.tile.s32 @!p0 $0x1;
	_ =	shalt  }
.Lfunc_end2:
_tile_overlayer_lowered:
.L_overlay_start_2:
0xa9: {  	(tag) =	ssettag $0x2  }
0xaa: {  	s0 =	rddreg [dreg:$0x0];
	s2 =	stileid.u32  }
0xab: {  	s1 =	rddreg [dreg:$0x1];
	p0 =	sne.s32 s2, $0x0  }
0xac: {  	s3 =	rddreg [dreg:$0x2];
	[bflag:$0x3] =	sbarrier.arrive $0xFFFF;
	s2 =	simm.s32 @!p0 $0x1C07  }
0xad: {  	[timem:s3], [sflag:s2] =	dma.local @!p0 [hbm:s0], s1  }
0xae: {  	s0 =	simm.s32 @!p0 $0x7  }
0xaf: {  	_ =	swait.ge @!p0 [sflag:s0], s1  }
0xb0: {  	s1 =	ssub.s32 @!p0 $0x0, s1;
	[sflag:s0] =	ssyncset.done @!p0 $0x0  }
0xb1: {  	[sflag:s0] =	ssyncadd.s32 @!p0 s1  }
0xb2: {  	[bflag:$0x3] =	sbarrier.arrive $0xFFFF  }
0xb3: {  	_ =	shalt  }

// kernel: kernel.14.cloned.1.call-start
scs
__scs_entry_jumppad:
0x0: {  	(pc) =	sbr.rel $0x88, $3  }
0x1: {  	(tag) =	ssettag $0x0;
	lr =	simm.s32 $0x1  }
0x2: {  	[smem:$0x3F9B] =	sst lr;
	_ =	strace $0xD0000000  }
0x3: {  	_ = 	snop  }
0x4: {  	_ = 	snop  }
0x5: {  	_ = 	snop  }
0x6: {  	_ = 	snop  }
0x7: {  	_ = 	snop  }
__scs_overlays_trampoline_lowered:
0x8: {  	[smem:$0x3FAA] =	sst s0  }
0x9: {  	[smem:$0x3FAB] =	sst s1  }
0xa: {  	[smem:$0x3FAC] =	sst s2  }
0xb: {  	[smem:$0x3FAD] =	sst s3  }
0xc: {  	[smem:$0x3FAE] =	sst s4  }
0xd: {  	[smem:$0x3FAF] =	sst s5  }
0xe: {  	[smem:$0x3FB0] =	sst s6  }
0xf: {  	[smem:$0x3FB1] =	sst s7  }
0x10: {  	[smem:$0x3FB2] =	sst s8  }
0x11: {  	[smem:$0x3FB3] =	sst s9;
	s0 =	simm.s32 @!p0 $0x0  }
0x12: {  	s1 =	sld [smem:$0x3F99];
	s0 =	simm.s32 @p0 $0x1  }
0x13: {  	[smem:$0x3FB4] =	sst s0;
	s0 =	simm.s32 @!p1 $0x0  }
0x14: {  	s2 =	sld [smem:$0x3F98];
	s0 =	simm.s32 @p1 $0x1  }
0x15: {  	[smem:$0x3FB5] =	sst s0;
	s0 =	simm.s32 @!p2 $0x0  }
0x16: {  	s3 =	sld [smem:$0x3FDB];
	s0 =	simm.s32 @p2 $0x1  }
0x17: {  	s4 =	simm.s32 $0x1BF5;
	[smem:$0x3FB7] =	sst s0  }
0x18: {  	s0 =	sld [smem:$0x3F9A];
	_ =	swait.ge [sflag:s4], $0x0  }
0x19: {  	s7 =	sld [smem:$0x3F9B]  }
0x1a: {  	s8 =	sadd.s32 $0xFFFFE003, lr  }
0x1b: {  	s9 =	sadd.s32 $0xFFFFFEF7, lr;
	s5 =	simm.s32 $0xFFFFFFFF;
	p2 =	slt.u32 s8, $0xFFFFF086  }
0x1c: {  	p1 =	slt.u32 s9, $0xF7A;
	s5 =	simm.s32 @!p2 $0x0  }
0x1d: {  	s5 =	simm.s32 @p1 $0x1;
	p0 =	seq.s32 s7, s2  }
0x1e: {  	s7 =	smul.u32 @!p0 $0xF7A, s2;
	p2 =	seq.s32 @!p0 s5, $0x0  }
0x1f: {  	s9 =	smul.u32 $0xF7A, s1;
	s8 =	simm.s32 @!p0 $0x1BF5;
	p2 =	por !p2, p0  }
0x20: {  	[sflag:s8] =	ssyncset.s32 @!p0 $0xFFFFF086;
	s6 =	sadd.s32 @!p0 s3, s7;
	s7 =	simm.s32 @!p0 $0x108  }
0x21: {  	s3 =	sadd.s32 s3, s9;
	s6 =	sadd.s32 @!p0 $0x88, s6;
	s7 =	simm.s32 @p2 $0x1082  }
0x22: {  	[simem:s7], [sflag:s8] =	dma.local @!p0 [hbm:s6], $0xF7A  }
0x23: {  	s9 =	sor.u32 $0xD0000000, s2;
	s6 =	simm.s32 $0x108;
	_ =	swait.ge @!p0 [sflag:s8], $0x0  }
0x24: {  	s3 =	sadd.s32 $0x88, s3;
	s6 =	simm.s32 @!p1 $0x1082;
	[sflag:s4] =	ssyncset.s32 $0xFFFFF086  }
0x25: {  	[simem:s6], [sflag:s4] =	dma.local [hbm:s3], $0xF7A  }
0x26: {  	[smem:$0x3F9B] =	sst s1;
	(tag) =	ssettag s2;
	_ =	strace s9  }
0x27: {  	s1 =	sld [smem:$0x3FAB]  }
0x28: {  	s2 =	sld [smem:$0x3FAC]  }
0x29: {  	s4 =	sld [smem:$0x3FAE]  }
0x2a: {  	p0 =	seq.s32 s5, $0x0;
	s5 =	sld [smem:$0x3FAF]  }
0x2b: {  	s6 =	sld [smem:$0x3FB0]  }
0x2c: {  	s7 =	sld [smem:$0x3FB1]  }
0x2d: {  	s3 =	simm.s32 $0x108;
	s8 =	sld [smem:$0x3FB2]  }
0x2e: {  	s3 =	simm.s32 @!p0 $0x1082;
	s9 =	sld [smem:$0x3FB3]  }
0x2f: {  	lr =	sadd.s32 s0, s3;
	s0 =	sld [smem:$0x3FAA]  }
0x30: {  	s3 =	sld [smem:$0x3FAD]  }
0x31: {  	[smem:$0x3FB6] =	sst s10  }
0x32: {  	s10 =	sld [smem:$0x3FB4];
	_ =	sdelay $0x3  }
0x33: {  	p0 =	seq.s32 s10, $0x1;
	s10 =	sld [smem:$0x3FB6];
	_ =	sdelay $0x3  }
0x34: {  	[smem:$0x3FB6] =	sst s10  }
0x35: {  	s10 =	sld [smem:$0x3FB5];
	_ =	sdelay $0x3  }
0x36: {  	p1 =	seq.s32 s10, $0x1;
	s10 =	sld [smem:$0x3FB6];
	_ =	sdelay $0x3  }
0x37: {  	[smem:$0x3FB6] =	sst s10  }
0x38: {  	s10 =	sld [smem:$0x3FB7]  }
0x39: {  	_ = 	snop;
	(pc) =	sbr.ind lr, $3  }
0x3a: {  	_ = 	snop  }
0x3b: {  	_ = 	snop  }
0x3c: {  	p2 =	seq.s32 s10, $0x1;
	s10 =	sld [smem:$0x3FB6]  }
0x3d: {  	_ =	shalt  }
0x3e: {  	_ =	shalt  }
0x3f: {  	_ =	shalt  }
0x40: {  	_ =	shalt  }
0x41: {  	_ =	shalt  }
0x42: {  	_ =	shalt  }
0x43: {  	_ =	shalt  }
0x44: {  	_ =	shalt  }
0x45: {  	_ =	shalt  }
0x46: {  	_ =	shalt  }
0x47: {  	_ =	shalt  }
0x48: {  	_ =	shalt  }
0x49: {  	_ =	shalt  }
0x4a: {  	_ =	shalt  }
0x4b: {  	_ =	shalt  }
0x4c: {  	_ =	shalt  }
0x4d: {  	_ =	shalt  }
0x4e: {  	_ =	shalt  }
0x4f: {  	_ =	shalt  }
0x50: {  	_ =	shalt  }
0x51: {  	_ =	shalt  }
0x52: {  	_ =	shalt  }
0x53: {  	_ =	shalt  }
0x54: {  	_ =	shalt  }
0x55: {  	_ =	shalt  }
0x56: {  	_ =	shalt  }
0x57: {  	_ =	shalt  }
0x58: {  	_ =	shalt  }
0x59: {  	_ =	shalt  }
0x5a: {  	_ =	shalt  }
0x5b: {  	_ =	shalt  }
0x5c: {  	_ =	shalt  }
0x5d: {  	_ =	shalt  }
0x5e: {  	_ =	shalt  }
0x5f: {  	_ =	shalt  }
0x60: {  	_ =	shalt  }
0x61: {  	_ =	shalt  }
0x62: {  	_ =	shalt  }
0x63: {  	_ =	shalt  }
0x64: {  	_ =	shalt  }
0x65: {  	_ =	shalt  }
0x66: {  	_ =	shalt  }
0x67: {  	_ =	shalt  }
0x68: {  	_ =	shalt  }
0x69: {  	_ =	shalt  }
0x6a: {  	_ =	shalt  }
0x6b: {  	_ =	shalt  }
0x6c: {  	_ =	shalt  }
0x6d: {  	_ =	shalt  }
0x6e: {  	_ =	shalt  }
0x6f: {  	_ =	shalt  }
0x70: {  	_ =	shalt  }
0x71: {  	_ =	shalt  }
0x72: {  	_ =	shalt  }
0x73: {  	_ =	shalt  }
0x74: {  	_ =	shalt  }
0x75: {  	_ =	shalt  }
0x76: {  	_ =	shalt  }
0x77: {  	_ =	shalt  }
0x78: {  	_ =	shalt  }
0x79: {  	_ =	shalt  }
0x7a: {  	_ =	shalt  }
0x7b: {  	_ =	shalt  }
0x7c: {  	_ =	shalt  }
0x7d: {  	_ =	shalt  }
0x7e: {  	_ =	shalt  }
0x7f: {  	_ =	shalt  }
0x80: {  	_ =	shalt  }
0x81: {  	_ =	shalt  }
0x82: {  	_ =	shalt  }
0x83: {  	_ =	shalt  }
0x84: {  	_ =	shalt  }
0x85: {  	_ =	shalt  }
0x86: {  	_ =	shalt  }
0x87: {  	_ =	shalt  }
.Lfunc_end0:
.L_simem_size_0:
called_computation.2_lowered:
.L_overlay_start_0:
0x88: {  	s2 =	sld [smem:$0x3FD9]  }
0x89: {  	s3 =	sld [smem:$0x3FFE];
	_ =	sdelay $0x1  }
0x8a: {  	s1 =	srdreg.scid  }
0x8b: {  	s0 =	sand.u32 $0x1, s1  }
0x8c: {  	s17 =	sshll.u32 s0, $0xA;
	s2 =	sadd.s32 s3, s2  }
0x8d: {  	s2 =	sadd.s32 s2, s17  }
0x8e: {  	[smem:$0x3FC2] =	sst s2  }
0x8f: {  	_ = 	snop  }
0x90: {  	s2 =	sld [smem:$0x3FD0];
	(tm) =	ssettm $0x1  }
0x91: {  	s18 =	sld [smem:$0x3FFB];
	_ =	sdelay $0x3  }
0x92: {  	_ =	strace s18  }
0x93: {  	s3 =	sld [smem:$0x3FFC];
	_ =	sdelay $0x3  }
0x94: {  	_ =	strace s3  }
0x95: {  	s3 =	sld [smem:$0x3FFD];
	_ =	sdelay $0x3  }
0x96: {  	_ =	strace s3  }
0x97: {  	_ =	strace $0x8FFFFFFF  }
0x98: {  	s19 =	sld [smem:$0x3FDB];
	_ =	sdelay $0x1  }
0x99: {  	s4 =	simm.s32 $_scs_section_size  }
0x9a: {  	s5 =	simm.s32 $_size__tile_overlayer_lowered;
	s6 =	simm.s32 $_tile_overlayer_lowered  }
0x9b: {  	s22 =	simm.s32 $0x1BFF;
	s21 =	sshll.u32 s6, $0x1;
	s3 =	sadd.s32 s4, s19  }
0x9c: {  	s7 =	simm.s32 $0x0;
	s20 =	sshll.u32 s5, $0x1;
	s5 =	sadd.s32 s21, s3  }
0x9d: {  	[timem:s7], [sflag:s22] =	dma.local [hbm:s5], s20  }
0x9e: {  	_ =	swait.ge [sflag:s22], s20  }
0x9f: {  	s4 =	ssub.s32 $0x0, s20;
	[sflag:s22] =	ssyncset.done $0x0  }
0xa0: {  	[sflag:s22] =	ssyncadd.s32 s4;
	_ =	sdelay $0x1  }
0xa1: {  	s23 =	simm.s32 $0x1B8B  }
0xa2: {  	_ =	swait.ge [sflag:s23], $0x1  }
0xa3: {  	[sflag:s23] =	ssyncset.done $0x0  }
0xa4: {  	s25 =	simm.s32 $0x1B8E;
	s24 =	sld [smem:$0x3FFE];
	[sflag:s23] =	ssyncadd.s32 $0xFFFFFFFF  }
0xa5: {  	s26 =	simm.s32 $execute0_lowered;
	[smem:$0x3FD2] =	sst s25  }
0xa6: {  	s5 =	sshll.u32 s26, $0x1;
	_ =	strace $0x8000004C;
	[dreg:$0x1] =	wrdreg $0xFFFFFFFF  }
0xa7: {  	s28 =	simm.s32 $_size_execute0_lowered;
	s3 =	sadd.s32 s3, s5;
	[dreg:$0x0] =	wrdreg $0x0  }
0xa8: {  	s5 =	sshll.u32 s28, $0x1;
	[dreg:$0x2] =	wrdreg s3  }
0xa9: {  	[dreg:$0x3] =	wrdreg s5  }
0xaa: {  	[dreg:$0x4] =	wrdreg $0xC0  }
0xab: {  	_ =	task [dreg:s7], $0x5FFFF  }
0xac: {  	[dreg:$0x1] =	wrdreg $0xFFFFFFFF  }
0xad: {  	[dreg:$0x0] =	wrdreg $0x60  }
0xae: {  	[dreg:$0x2] =	wrdreg s24  }
0xaf: {  	[dreg:$0x3] =	wrdreg s2  }
0xb0: {  	[dreg:$0x4] =	wrdreg $0xB1000  }
0xb1: {  	[dreg:$0x5] =	wrdreg $0x9  }
0xb2: {  	_ =	task.clear_ibuf [dreg:s7], $0x6FFFF;
	_ =	strace $0x9000004C  }
0xb3: {  	s29 =	simm.s32 $0x9;
	_ =	strace $0x8000004E  }
0xb4: {  	_ =	swait.ge [sflag:s29], $0x1  }
0xb5: {  	[sflag:s29] =	ssyncadd.s32 $0xFFFFFFFF  }
0xb6: {  	_ =	strace $0x9000004E  }
0xb7: {  	_ =	sfence  }
0xb8: {  	s30 =	sld [smem:$0x0];
	_ =	sdelay $0x2  }
0xb9: {  	s31 =	sshll.u32 s1, $0xD;
	s1 =	sshrl.u32 s1, $0x2  }
0xba: {  	s3 =	sand.u32 $0x4000, s31;
	s1 =	sadd.s32 s1, s30  }
0xbb: {  	s0 =	sor.u32 s3, s0;
	s1 =	sshll.u32 s1, $0x11  }
0xbc: {  	s0 =	sor.u32 s1, s0  }
0xbd: {  	s0 =	sadd.s32 $0x8F2B, s0  }
0xbe: {  	[sflag:s0] =	ssyncadd.remote.s32 $0x1  }
0xbf: {  	_ =	sfence.sel $0xFFFF  }
0xc0: {  	[dreg:$0x0] =	wrdreg $0xFFFFFFFF;
	(pc) =	sbr.abs _section_cstart, $3  }
0xc1: {  	[dreg:$0x1] =	wrdreg $0xFFFFFFFF  }
0xc2: {  	_ =	task.clear_ibuf [dreg:s7], $0x2FFFF;
	_ =	strace $0x9FFFFFFF  }
0xc3: {  	(tm) =	ssettm $0x7FFFFFFF  }
tec
execute0_lowered:
.L_overlay_start_1:
0x0: {  	(tag) =	ssettag $0x1  }
0x1: {  	s0 =	srdreg.scid  }
0x2: {  	s10 =	stileid.u32;
	s1 =	rddreg [dreg:$0x0]  }
0x3: {  	s3 =	rddreg [dreg:$0x2];
	s4 =	simm.s32 $0x0;
	s18 =	simm.s32 $0x7  }
0x4: {  	s19 =	simm.s32 $0x2780;
	s29 =	simm.s32 $0x2;
	s30 =	simm.s32 $0x4  }
0x5: {  	s31 =	simm.s32 $0x6;
	s28 =	simm.s32 $0x0;
	s7 =	smul.u32 $0x13C00, s10  }
0x6: {  	s0 =	sand.u32 $0x1, s0;
	s2 =	sshll.u32 s10, $0x1;
	s9 =	smul.u32 $0x4F000, s10  }
0x7: {  	[smem:$0x7FF] =	sst s4;
	s5 =	sadd.s32 $0x15C00, s1;
	s23 =	smul.u32 $0x4E20, s10  }
0x8: {  	s16 =	sadd.s32 $0xBE00, s1;
	s24 =	sshll.u32 s10, $0x6;
	s6 =	smul.u32 $0x13C000, s0  }
0x9: {  	s2 =	sor.u32 s0, s2;
	s20 =	ssub.s32 $0x2, s0;
	s0 =	smul.u32 $0x2710, s0  }
0xa: {  	_ =	strace $0x8000004D;
	s2 =	smul.u32 $0x2710, s2;
	s21 =	sshrl.u32 s20, $0x1  }
0xb: {  	s22 =	sshrl.u32 s9, $0x2;
	s6 =	sadd.s32 s7, s6;
	s7 =	ssub.s32 s20, s21  }
0xc: {  	s17 =	sadd.s32 s22, s3;
	s0 =	sadd.s32 s0, s23;
	s20 =	simm.s32 $0x80  }
0xd: {  	s21 =	simm.s32 $0x2880;
	s22 =	simm.s32 $0x2800;
	s23 =	simm.s32 $0x6880  }
0xe: {  	s2 =	sshrl.u32 s2, $0x3;
	s6 =	sshrl.u32 s6, $0x3;
	s25 =	smax.u32 s7, $0x1  }
0xf: {  	s26 =	sadd.s32 $0x180, s0;
	s0 =	sadd.s32 $0x200, s0;
	s17 =	sshrl.u32 s17, $0x3  }
0x10: {  	s8 =	sadd.s32 s2, s1;
	s1 =	sadd.s32 s6, s1;
	s6 =	sor.u32 $0x1C07, s24  }
0x11: {  	[dreg:$0x7] =	wrdreg s25;
	s0 =	sshrl.u32 s0, $0x3;
	s8 =	sadd.s32 $0x2000, s8  }
0x12: {  	s24 =	simm.s32 $0x1;
	s1 =	sadd.s32 $0x3D400, s1;
	[dreg:$0x4] =	wrdreg s8  }
0x13: {  	s25 =	simm.s32 $0x3;
	s8 =	sadd.s32 s16, s2;
	[dreg:$0x6] =	wrdreg s1  }
0x14: {  	s1 =	sshrl.u32 s26, $0x3;
	s26 =	simm.s32 $0x5;
	s2 =	sadd.s32 $0x4E0, s8  }
0x15: {  	s12 =	sadd.s32 $0x10, s8;
	s13 =	sadd.s32 $0x20, s8;
	s14 =	sadd.s32 $0x4D0, s8  }
0x16: {  	s15 =	sadd.s32 s1, s16;
	s16 =	sadd.s32 s0, s16;
	s0 =	simm.s32 $0xA880  }
0x17: {  	s1 =	simm.s32 $0xA900;
	[dreg:$0x5] =	wrdreg s2;
	s2 =	simm.s32 $0x10  }
.LBB2_1:
0x18: {  	s7 =	rddreg [dreg:$0x1]  }
0x19: {  	[spmem:s17], [sflag:s6] =	dma.local [hbm:s7], $0x2780  }
0x1a: {  	_ =	swait.ge [sflag:s18], $0x2780  }
0x1b: {  	[sflag:s18] =	ssyncset.done $0x0  }
0x1c: {  	s9 =	rddreg [dreg:$0x4];
	[sflag:s18] =	ssyncadd.s32 $0xFFFFD880  }
0x1d: {  	[tilespmem:s4], [sflag:$0x7] =	stream.linear.gather [hbm4b:s9+s4], $0x2710, $0x38;
	[tilespmem:$0x1ED00] =	vst v63  }
0x1e: {  	_ =	swait.ge [sflag:s18], $0x2710  }
0x1f: {  	[sflag:s18] =	ssyncset.done $0x0  }
0x20: {  	[sflag:s18] =	ssyncadd.s32 $0xFFFFD8F0  }
0x21: {  	[bflag:$0x0] =	sbarrier.arrive $0xFFFF  }
0x22: {  	[tilespmem:s19], [sflag:$0x1] =	stream.linear.gather [hbm4b:s8+s4], $0x80, $0x38;
	[tilespmem:$0x1ED00] =	vst v63  }
0x23: {  	_ = 	snop  }
0x24: {  	[tilespmem:s21], [sflag:$0x3] =	stream.indirect.gather [hbm4b:s5+s20], $0x80, s4, s20, $0xb8;
	[tilespmem:$0x1ED00] =	vst v63  }
0x25: {  	_ = 	snop  }
0x26: {  	[tilespmem:s22], [sflag:$0x2] =	stream.linear.gather [hbm4b:s12+s4], $0x80, $0x38;
	[tilespmem:$0x1ED00] =	vst v63  }
0x27: {  	_ = 	snop  }
0x28: {  	[tilespmem:s23], [sflag:$0x4] =	stream.indirect.gather [hbm4b:s5+s20], $0x80, s20, s20, $0xb8;
	[tilespmem:$0x1ED00] =	vst v63  }
0x29: {  	_ =	swait.ge [sflag:s24], $0x80  }
0x2a: {  	[sflag:s24] =	ssyncset.done $0x0  }
0x2b: {  	[sflag:s24] =	ssyncadd.s32 $0xFFFFFF80  }
0x2c: {  	_ =	swait.ge [sflag:s25], $0x4000  }
0x2d: {  	[sflag:s25] =	ssyncset.done $0x0  }
0x2e: {  	[sflag:s25] =	ssyncadd.s32 $0xFFFFC000  }
0x2f: {  	[spmem:s3] =	stream.indirect.scatter.add.f32 [tilespmem:s21], [sflag:$0x5], $0x80, s19, s20, $0xb8;
	[tilespmem:$0x1ED00] =	vst v63  }
0x30: {  	_ =	swait.ge [sflag:s26], $0x4000  }
0x31: {  	[sflag:s26] =	ssyncset.done $0x0  }
0x32: {  	[sflag:s26] =	ssyncadd.s32 $0xFFFFC000  }
0x33: {  	[tilespmem:s19], [sflag:$0x1] =	stream.linear.gather [hbm4b:s13+s4], $0x80, $0x38;
	[tilespmem:$0x1ED00] =	vst v63  }
0x34: {  	s10 =	simm.s32 $0x100  }
0x35: {  	[tilespmem:s21], [sflag:$0x3] =	stream.indirect.gather [hbm4b:s5+s20], $0x80, s10, s20, $0xb8;
	[tilespmem:$0x1ED00] =	vst v63  }
0x36: {  	_ =	swait.ge [sflag:s29], $0x80  }
0x37: {  	[sflag:s29] =	ssyncset.done $0x0  }
0x38: {  	[sflag:s29] =	ssyncadd.s32 $0xFFFFFF80  }
0x39: {  	_ =	swait.ge [sflag:s30], $0x4000  }
0x3a: {  	[sflag:s30] =	ssyncset.done $0x0  }
0x3b: {  	[sflag:s30] =	ssyncadd.s32 $0xFFFFC000  }
0x3c: {  	[spmem:s3] =	stream.indirect.scatter.add.f32 [tilespmem:s23], [sflag:$0x6], $0x80, s22, s20, $0xb8;
	[tilespmem:$0x1ED00] =	vst v63  }
0x3d: {  	_ =	swait.ge [sflag:s31], $0x4000  }
0x3e: {  	[sflag:s31] =	ssyncset.done $0x0  }
0x3f: {  	s11 =	sadd.s32 $0x0, s15;
	[sflag:s31] =	ssyncadd.s32 $0xFFFFC000  }
0x40: {  	[tilespmem:s22], [sflag:$0x2] =	stream.linear.gather [hbm4b:s11+s4], $0x80, $0x38;
	[tilespmem:$0x1ED00] =	vst v63  }
0x41: {  	s9 =	simm.s32 $0x180  }
0x42: {  	[tilespmem:s23], [sflag:$0x4] =	stream.indirect.gather [hbm4b:s5+s20], $0x80, s9, s20, $0xb8;
	[tilespmem:$0x1ED00] =	vst v63  }
0x43: {  	_ =	swait.ge [sflag:s24], $0x80  }
0x44: {  	[sflag:s24] =	ssyncset.done $0x0  }
0x45: {  	[sflag:s24] =	ssyncadd.s32 $0xFFFFFF80  }
0x46: {  	_ =	swait.ge [sflag:s25], $0x4000  }
0x47: {  	[sflag:s25] =	ssyncset.done $0x0  }
0x48: {  	[sflag:s25] =	ssyncadd.s32 $0xFFFFC000  }
0x49: {  	[spmem:s3] =	stream.indirect.scatter.add.f32 [tilespmem:s21], [sflag:$0x5], $0x80, s19, s20, $0xb8;
	[tilespmem:$0x1ED00] =	vst v63  }
0x4a: {  	_ =	swait.ge [sflag:s26], $0x4000  }
0x4b: {  	[sflag:s26] =	ssyncset.done $0x0  }
0x4c: {  	s10 =	sadd.s32 $0x0, s16;
	[sflag:s26] =	ssyncadd.s32 $0xFFFFC000  }
0x4d: {  	[tilespmem:s19], [sflag:$0x1] =	stream.linear.gather [hbm4b:s10+s4], $0x80, $0x38;
	[tilespmem:$0x1ED00] =	vst v63  }
0x4e: {  	s11 =	simm.s32 $0x200  }
0x4f: {  	[tilespmem:s21], [sflag:$0x3] =	stream.indirect.gather [hbm4b:s5+s20], $0x80, s11, s20, $0xb8;
	[tilespmem:$0x1ED00] =	vst v63  }
0x50: {  	_ =	swait.ge [sflag:s29], $0x80  }
0x51: {  	[sflag:s29] =	ssyncset.done $0x0  }
0x52: {  	[sflag:s29] =	ssyncadd.s32 $0xFFFFFF80  }
0x53: {  	_ =	swait.ge [sflag:s30], $0x4000  }
0x54: {  	[sflag:s30] =	ssyncset.done $0x0  }
0x55: {  	s7 =	simm.s32 $0x20;
	s9 =	simm.s32 $0x280;
	[sflag:s30] =	ssyncadd.s32 $0xFFFFC000  }
.LBB2_2:
0x56: {  	[spmem:s3] =	stream.indirect.scatter.add.f32 [tilespmem:s23], [sflag:$0x6], $0x80, s22, s20, $0xb8;
	[tilespmem:$0x1ED00] =	vst v63  }
0x57: {  	s10 =	smov.u32 s7  }
0x58: {  	p0 =	sne.s32 s7, $0x480;
	s7 =	sadd.s32 $0x20, s7;
	_ =	swait.ge [sflag:s31], $0x4000  }
0x59: {  	[sflag:s31] =	ssyncset.done $0x0  }
0x5a: {  	s11 =	sadd.s32 s10, s15;
	[sflag:s31] =	ssyncadd.s32 $0xFFFFC000  }
0x5b: {  	[tilespmem:s22], [sflag:$0x2] =	stream.linear.gather [hbm4b:s11+s4], $0x80, $0x38;
	[tilespmem:$0x1ED00] =	vst v63  }
0x5c: {  	_ = 	snop  }
0x5d: {  	[tilespmem:s23], [sflag:$0x4] =	stream.indirect.gather [hbm4b:s5+s20], $0x80, s9, s20, $0xb8;
	[tilespmem:$0x1ED00] =	vst v63  }
0x5e: {  	_ =	swait.ge [sflag:s24], $0x80  }
0x5f: {  	[sflag:s24] =	ssyncset.done $0x0  }
0x60: {  	[sflag:s24] =	ssyncadd.s32 $0xFFFFFF80  }
0x61: {  	_ =	swait.ge [sflag:s25], $0x4000  }
0x62: {  	[sflag:s25] =	ssyncset.done $0x0  }
0x63: {  	[sflag:s25] =	ssyncadd.s32 $0xFFFFC000  }
0x64: {  	[spmem:s3] =	stream.indirect.scatter.add.f32 [tilespmem:s21], [sflag:$0x5], $0x80, s19, s20, $0xb8;
	[tilespmem:$0x1ED00] =	vst v63  }
0x65: {  	_ =	swait.ge [sflag:s26], $0x4000  }
0x66: {  	[sflag:s26] =	ssyncset.done $0x0  }
0x67: {  	s10 =	sadd.s32 s10, s16;
	[sflag:s26] =	ssyncadd.s32 $0xFFFFC000  }
0x68: {  	[tilespmem:s19], [sflag:$0x1] =	stream.linear.gather [hbm4b:s10+s4], $0x80, $0x38;
	[tilespmem:$0x1ED00] =	vst v63  }
0x69: {  	s10 =	sadd.s32 $0x80, s9  }
0x6a: {  	[tilespmem:s21], [sflag:$0x3] =	stream.indirect.gather [hbm4b:s5+s20], $0x80, s10, s20, $0xb8;
	[tilespmem:$0x1ED00] =	vst v63  }
0x6b: {  	_ =	swait.ge [sflag:s29], $0x80  }
.Ltmp0:
0x6c: {  	[sflag:s29] =	ssyncset.done $0x0;
	(pc) =	sbr.rel @p0 .LBB2_2-.Ltmp0, $4  }
0x6d: {  	[sflag:s29] =	ssyncadd.s32 $0xFFFFFF80  }
0x6e: {  	_ =	swait.ge [sflag:s30], $0x4000  }
0x6f: {  	[sflag:s30] =	ssyncset.done $0x0  }
0x70: {  	s9 =	sadd.s32 $0x100, s9;
	[sflag:s30] =	ssyncadd.s32 $0xFFFFC000  }
0x71: {  	[spmem:s3] =	stream.indirect.scatter.add.f32 [tilespmem:s23], [sflag:$0x6], $0x80, s22, s20, $0xb8;
	[tilespmem:$0x1ED00] =	vst v63  }
0x72: {  	_ =	swait.ge [sflag:s31], $0x4000  }
0x73: {  	[sflag:s31] =	ssyncset.done $0x0  }
0x74: {  	[sflag:s31] =	ssyncadd.s32 $0xFFFFC000  }
0x75: {  	[tilespmem:s22], [sflag:$0x2] =	stream.linear.gather [hbm4b:s14+s4], $0x80, $0x38;
	[tilespmem:$0x1ED00] =	vst v63  }
0x76: {  	s7 =	simm.s32 $0x2680  }
0x77: {  	[tilespmem:s23], [sflag:$0x4] =	stream.indirect.gather [hbm4b:s5+s20], $0x80, s7, s20, $0xb8;
	[tilespmem:$0x1ED00] =	vst v63  }
0x78: {  	_ =	swait.ge [sflag:s24], $0x80  }
0x79: {  	[sflag:s24] =	ssyncset.done $0x0  }
0x7a: {  	[sflag:s24] =	ssyncadd.s32 $0xFFFFFF80  }
0x7b: {  	_ =	swait.ge [sflag:s25], $0x4000  }
0x7c: {  	[sflag:s25] =	ssyncset.done $0x0  }
0x7d: {  	[sflag:s25] =	ssyncadd.s32 $0xFFFFC000  }
0x7e: {  	[spmem:s3] =	stream.indirect.scatter.add.f32 [tilespmem:s21], [sflag:$0x5], $0x80, s19, s20, $0xb8;
	[tilespmem:$0x1ED00] =	vst v63  }
0x7f: {  	_ =	swait.ge [sflag:s29], $0x80  }
0x80: {  	[sflag:s29] =	ssyncset.done $0x0  }
0x81: {  	[sflag:s29] =	ssyncadd.s32 $0xFFFFFF80  }
0x82: {  	_ =	swait.ge [sflag:s30], $0x4000  }
0x83: {  	[sflag:s30] =	ssyncset.done $0x0  }
0x84: {  	[sflag:s30] =	ssyncadd.s32 $0xFFFFC000  }
0x85: {  	[spmem:s3] =	stream.indirect.scatter.add.f32 [tilespmem:s23], [sflag:$0x6], $0x80, s22, s20, $0xb8;
	[tilespmem:$0x1ED00] =	vst v63  }
0x86: {  	_ =	swait.ge [sflag:s26], $0x4000  }
0x87: {  	[sflag:s26] =	ssyncset.done $0x0  }
0x88: {  	[sflag:s26] =	ssyncadd.s32 $0xFFFFC000  }
0x89: {  	_ =	swait.ge [sflag:s31], $0x4000  }
0x8a: {  	[sflag:s31] =	ssyncset.done $0x0  }
0x8b: {  	s11 =	rddreg [dreg:$0x5];
	[sflag:s31] =	ssyncadd.s32 $0xFFFFC000  }
0x8c: {  	[tilespmem:s0], [sflag:$0x7] =	stream.linear.gather [hbm4b:s11+s4], $0x10, $0x38;
	[tilespmem:$0x1ED00] =	vst v63  }
0x8d: {  	_ =	swait.ge [sflag:s18], $0x10  }
0x8e: {  	[sflag:s18] =	ssyncset.done $0x0  }
0x8f: {  	s9 =	simm.s32 $0x2700;
	[sflag:s18] =	ssyncadd.s32 $0xFFFFFFF0  }
0x90: {  	[tilespmem:s1], [sflag:$0x3] =	stream.indirect.gather [hbm4b:s5+s2], $0x80, s9, s2, $0xb8;
	[tilespmem:$0x1ED00] =	vst v63  }
0x91: {  	_ =	swait.ge [sflag:s25], $0x800  }
0x92: {  	[sflag:s25] =	ssyncset.done $0x0  }
0x93: {  	[sflag:s25] =	ssyncadd.s32 $0xFFFFF800  }
0x94: {  	[spmem:s3] =	stream.indirect.scatter.add.f32 [tilespmem:s1], [sflag:$0x7], $0x80, s0, s2, $0xb8;
	[tilespmem:$0x1ED00] =	vst v63  }
0x95: {  	_ =	swait.ge [sflag:s18], $0x800  }
0x96: {  	[sflag:s18] =	ssyncset.done $0x0  }
0x97: {  	[sflag:s18] =	ssyncadd.s32 $0xFFFFF800  }
0x98: {  	[bflag:$0x0] =	sbarrier.arrive $0xFFFF  }
0x99: {  	s10 =	rddreg [dreg:$0x6]  }
0x9a: {  	[hbm:s10], [sflag:s6] =	dma.local [spmem:s17], $0x2780  }
0x9b: {  	_ =	swait.ge [sflag:s18], $0x2780  }
0x9c: {  	s28 =	sadd.s32 $0x1, s28;
	s11 =	rddreg [dreg:$0x7]  }
0x9d: {  	p0 =	sne.s32 s28, s11  }
.Ltmp1:
0x9e: {  	_ = 	snop;
	(pc) =	sbr.rel @p0 .LBB2_1-.Ltmp1, $3  }
0x9f: {  	_ =	sdelay $0x1  }
0xa0: {  	[sflag:s18] =	ssyncset.done $0x0  }
0xa1: {  	[sflag:s18] =	ssyncadd.s32 $0xFFFFD880  }
0xa2: {  	_ =	sfence.sel $0x180000  }
0xa3: {  	[bflag:$0x0] =	sbarrier.arrive $0xFFFF  }
0xa4: {  	_ =	strace $0x9000004D  }
0xa5: {  	s0 =	stileid.u32;
	[bflag:$0x2] =	sbarrier.arrive $0xFFFF  }
0xa6: {  	p0 =	sne.s32 s0, $0x0;
	s0 =	rddreg [dreg:$0x3]  }
0xa7: {  	s0 =	sadd.s32 @!p0 $0x100000, s0  }
0xa8: {  	[sflag:s0] =	ssyncadd.tile.s32 @!p0 $0x1;
	_ =	shalt  }
.Lfunc_end2:
_tile_overlayer_lowered:
.L_overlay_start_2:
0xa9: {  	(tag) =	ssettag $0x2  }
0xaa: {  	s0 =	rddreg [dreg:$0x0];
	s2 =	stileid.u32  }
0xab: {  	s1 =	rddreg [dreg:$0x1];
	p0 =	sne.s32 s2, $0x0  }
0xac: {  	s3 =	rddreg [dreg:$0x2];
	[bflag:$0x3] =	sbarrier.arrive $0xFFFF;
	s2 =	simm.s32 @!p0 $0x1C07  }
0xad: {  	[timem:s3], [sflag:s2] =	dma.local @!p0 [hbm:s0], s1  }
0xae: {  	s0 =	simm.s32 @!p0 $0x7  }
0xaf: {  	_ =	swait.ge @!p0 [sflag:s0], s1  }
0xb0: {  	s1 =	ssub.s32 @!p0 $0x0, s1;
	[sflag:s0] =	ssyncset.done @!p0 $0x0  }
0xb1: {  	[sflag:s0] =	ssyncadd.s32 @!p0 s1  }
0xb2: {  	[bflag:$0x3] =	sbarrier.arrive $0xFFFF  }
0xb3: {  	_ =	shalt  }

// kernel: kernel.8.cloned.1.call-start
scs
__scs_entry_jumppad:
0x0: {  	(pc) =	sbr.rel $0x88, $3  }
0x1: {  	(tag) =	ssettag $0x0;
	lr =	simm.s32 $0x1  }
0x2: {  	[smem:$0x3F9B] =	sst lr;
	_ =	strace $0xD0000000  }
0x3: {  	_ = 	snop  }
0x4: {  	_ = 	snop  }
0x5: {  	_ = 	snop  }
0x6: {  	_ = 	snop  }
0x7: {  	_ = 	snop  }
__scs_overlays_trampoline_lowered:
0x8: {  	[smem:$0x3FAA] =	sst s0  }
0x9: {  	[smem:$0x3FAB] =	sst s1  }
0xa: {  	[smem:$0x3FAC] =	sst s2  }
0xb: {  	[smem:$0x3FAD] =	sst s3  }
0xc: {  	[smem:$0x3FAE] =	sst s4  }
0xd: {  	[smem:$0x3FAF] =	sst s5  }
0xe: {  	[smem:$0x3FB0] =	sst s6  }
0xf: {  	[smem:$0x3FB1] =	sst s7  }
0x10: {  	[smem:$0x3FB2] =	sst s8  }
0x11: {  	[smem:$0x3FB3] =	sst s9;
	s0 =	simm.s32 @!p0 $0x0  }
0x12: {  	s1 =	sld [smem:$0x3F99];
	s0 =	simm.s32 @p0 $0x1  }
0x13: {  	[smem:$0x3FB4] =	sst s0;
	s0 =	simm.s32 @!p1 $0x0  }
0x14: {  	s2 =	sld [smem:$0x3F98];
	s0 =	simm.s32 @p1 $0x1  }
0x15: {  	[smem:$0x3FB5] =	sst s0;
	s0 =	simm.s32 @!p2 $0x0  }
0x16: {  	s3 =	sld [smem:$0x3FDB];
	s0 =	simm.s32 @p2 $0x1  }
0x17: {  	s4 =	simm.s32 $0x1BF5;
	[smem:$0x3FB7] =	sst s0  }
0x18: {  	s0 =	sld [smem:$0x3F9A];
	_ =	swait.ge [sflag:s4], $0x0  }
0x19: {  	s7 =	sld [smem:$0x3F9B]  }
0x1a: {  	s8 =	sadd.s32 $0xFFFFE003, lr  }
0x1b: {  	s9 =	sadd.s32 $0xFFFFFEF7, lr;
	s5 =	simm.s32 $0xFFFFFFFF;
	p2 =	slt.u32 s8, $0xFFFFF086  }
0x1c: {  	p1 =	slt.u32 s9, $0xF7A;
	s5 =	simm.s32 @!p2 $0x0  }
0x1d: {  	s5 =	simm.s32 @p1 $0x1;
	p0 =	seq.s32 s7, s2  }
0x1e: {  	s7 =	smul.u32 @!p0 $0xF7A, s2;
	p2 =	seq.s32 @!p0 s5, $0x0  }
0x1f: {  	s9 =	smul.u32 $0xF7A, s1;
	s8 =	simm.s32 @!p0 $0x1BF5;
	p2 =	por !p2, p0  }
0x20: {  	[sflag:s8] =	ssyncset.s32 @!p0 $0xFFFFF086;
	s6 =	sadd.s32 @!p0 s3, s7;
	s7 =	simm.s32 @!p0 $0x108  }
0x21: {  	s3 =	sadd.s32 s3, s9;
	s6 =	sadd.s32 @!p0 $0x88, s6;
	s7 =	simm.s32 @p2 $0x1082  }
0x22: {  	[simem:s7], [sflag:s8] =	dma.local @!p0 [hbm:s6], $0xF7A  }
0x23: {  	s9 =	sor.u32 $0xD0000000, s2;
	s6 =	simm.s32 $0x108;
	_ =	swait.ge @!p0 [sflag:s8], $0x0  }
0x24: {  	s3 =	sadd.s32 $0x88, s3;
	s6 =	simm.s32 @!p1 $0x1082;
	[sflag:s4] =	ssyncset.s32 $0xFFFFF086  }
0x25: {  	[simem:s6], [sflag:s4] =	dma.local [hbm:s3], $0xF7A  }
0x26: {  	[smem:$0x3F9B] =	sst s1;
	(tag) =	ssettag s2;
	_ =	strace s9  }
0x27: {  	s1 =	sld [smem:$0x3FAB]  }
0x28: {  	s2 =	sld [smem:$0x3FAC]  }
0x29: {  	s4 =	sld [smem:$0x3FAE]  }
0x2a: {  	p0 =	seq.s32 s5, $0x0;
	s5 =	sld [smem:$0x3FAF]  }
0x2b: {  	s6 =	sld [smem:$0x3FB0]  }
0x2c: {  	s7 =	sld [smem:$0x3FB1]  }
0x2d: {  	s3 =	simm.s32 $0x108;
	s8 =	sld [smem:$0x3FB2]  }
0x2e: {  	s3 =	simm.s32 @!p0 $0x1082;
	s9 =	sld [smem:$0x3FB3]  }
0x2f: {  	lr =	sadd.s32 s0, s3;
	s0 =	sld [smem:$0x3FAA]  }
0x30: {  	s3 =	sld [smem:$0x3FAD]  }
0x31: {  	[smem:$0x3FB6] =	sst s10  }
0x32: {  	s10 =	sld [smem:$0x3FB4];
	_ =	sdelay $0x3  }
0x33: {  	p0 =	seq.s32 s10, $0x1;
	s10 =	sld [smem:$0x3FB6];
	_ =	sdelay $0x3  }
0x34: {  	[smem:$0x3FB6] =	sst s10  }
0x35: {  	s10 =	sld [smem:$0x3FB5];
	_ =	sdelay $0x3  }
0x36: {  	p1 =	seq.s32 s10, $0x1;
	s10 =	sld [smem:$0x3FB6];
	_ =	sdelay $0x3  }
0x37: {  	[smem:$0x3FB6] =	sst s10  }
0x38: {  	s10 =	sld [smem:$0x3FB7]  }
0x39: {  	_ = 	snop;
	(pc) =	sbr.ind lr, $3  }
0x3a: {  	_ = 	snop  }
0x3b: {  	_ = 	snop  }
0x3c: {  	p2 =	seq.s32 s10, $0x1;
	s10 =	sld [smem:$0x3FB6]  }
0x3d: {  	_ =	shalt  }
0x3e: {  	_ =	shalt  }
0x3f: {  	_ =	shalt  }
0x40: {  	_ =	shalt  }
0x41: {  	_ =	shalt  }
0x42: {  	_ =	shalt  }
0x43: {  	_ =	shalt  }
0x44: {  	_ =	shalt  }
0x45: {  	_ =	shalt  }
0x46: {  	_ =	shalt  }
0x47: {  	_ =	shalt  }
0x48: {  	_ =	shalt  }
0x49: {  	_ =	shalt  }
0x4a: {  	_ =	shalt  }
0x4b: {  	_ =	shalt  }
0x4c: {  	_ =	shalt  }
0x4d: {  	_ =	shalt  }
0x4e: {  	_ =	shalt  }
0x4f: {  	_ =	shalt  }
0x50: {  	_ =	shalt  }
0x51: {  	_ =	shalt  }
0x52: {  	_ =	shalt  }
0x53: {  	_ =	shalt  }
0x54: {  	_ =	shalt  }
0x55: {  	_ =	shalt  }
0x56: {  	_ =	shalt  }
0x57: {  	_ =	shalt  }
0x58: {  	_ =	shalt  }
0x59: {  	_ =	shalt  }
0x5a: {  	_ =	shalt  }
0x5b: {  	_ =	shalt  }
0x5c: {  	_ =	shalt  }
0x5d: {  	_ =	shalt  }
0x5e: {  	_ =	shalt  }
0x5f: {  	_ =	shalt  }
0x60: {  	_ =	shalt  }
0x61: {  	_ =	shalt  }
0x62: {  	_ =	shalt  }
0x63: {  	_ =	shalt  }
0x64: {  	_ =	shalt  }
0x65: {  	_ =	shalt  }
0x66: {  	_ =	shalt  }
0x67: {  	_ =	shalt  }
0x68: {  	_ =	shalt  }
0x69: {  	_ =	shalt  }
0x6a: {  	_ =	shalt  }
0x6b: {  	_ =	shalt  }
0x6c: {  	_ =	shalt  }
0x6d: {  	_ =	shalt  }
0x6e: {  	_ =	shalt  }
0x6f: {  	_ =	shalt  }
0x70: {  	_ =	shalt  }
0x71: {  	_ =	shalt  }
0x72: {  	_ =	shalt  }
0x73: {  	_ =	shalt  }
0x74: {  	_ =	shalt  }
0x75: {  	_ =	shalt  }
0x76: {  	_ =	shalt  }
0x77: {  	_ =	shalt  }
0x78: {  	_ =	shalt  }
0x79: {  	_ =	shalt  }
0x7a: {  	_ =	shalt  }
0x7b: {  	_ =	shalt  }
0x7c: {  	_ =	shalt  }
0x7d: {  	_ =	shalt  }
0x7e: {  	_ =	shalt  }
0x7f: {  	_ =	shalt  }
0x80: {  	_ =	shalt  }
0x81: {  	_ =	shalt  }
0x82: {  	_ =	shalt  }
0x83: {  	_ =	shalt  }
0x84: {  	_ =	shalt  }
0x85: {  	_ =	shalt  }
0x86: {  	_ =	shalt  }
0x87: {  	_ =	shalt  }
.Lfunc_end0:
.L_simem_size_0:
called_computation_lowered:
.L_overlay_start_0:
0x88: {  	s2 =	sld [smem:$0x3FD9]  }
0x89: {  	s3 =	sld [smem:$0x3FFE];
	_ =	sdelay $0x1  }
0x8a: {  	s1 =	srdreg.scid  }
0x8b: {  	s0 =	sand.u32 $0x1, s1  }
0x8c: {  	s17 =	sshll.u32 s0, $0xA;
	s2 =	sadd.s32 s3, s2  }
0x8d: {  	s2 =	sadd.s32 s2, s17  }
0x8e: {  	[smem:$0x3FC2] =	sst s2  }
0x8f: {  	_ = 	snop  }
0x90: {  	s2 =	sld [smem:$0x3FD0];
	(tm) =	ssettm $0x1  }
0x91: {  	s18 =	sld [smem:$0x3FFB];
	_ =	sdelay $0x3  }
0x92: {  	_ =	strace s18  }
0x93: {  	s3 =	sld [smem:$0x3FFC];
	_ =	sdelay $0x3  }
0x94: {  	_ =	strace s3  }
0x95: {  	s3 =	sld [smem:$0x3FFD];
	_ =	sdelay $0x3  }
0x96: {  	_ =	strace s3  }
0x97: {  	_ =	strace $0x8FFFFFFF  }
0x98: {  	s19 =	sld [smem:$0x3FDB];
	_ =	sdelay $0x1  }
0x99: {  	s4 =	simm.s32 $_scs_section_size  }
0x9a: {  	s5 =	simm.s32 $_size__tile_overlayer_lowered;
	s6 =	simm.s32 $_tile_overlayer_lowered  }
0x9b: {  	s22 =	simm.s32 $0x1BFF;
	s21 =	sshll.u32 s6, $0x1;
	s3 =	sadd.s32 s4, s19  }
0x9c: {  	s7 =	simm.s32 $0x0;
	s20 =	sshll.u32 s5, $0x1;
	s5 =	sadd.s32 s21, s3  }
0x9d: {  	[timem:s7], [sflag:s22] =	dma.local [hbm:s5], s20  }
0x9e: {  	_ =	swait.ge [sflag:s22], s20  }
0x9f: {  	s4 =	ssub.s32 $0x0, s20;
	[sflag:s22] =	ssyncset.done $0x0  }
0xa0: {  	[sflag:s22] =	ssyncadd.s32 s4;
	_ =	sdelay $0x1  }
0xa1: {  	s23 =	simm.s32 $0x1B8B  }
0xa2: {  	_ =	swait.ge [sflag:s23], $0x1  }
0xa3: {  	[sflag:s23] =	ssyncset.done $0x0  }
0xa4: {  	s25 =	simm.s32 $0x1B8E;
	s24 =	sld [smem:$0x3FFE];
	[sflag:s23] =	ssyncadd.s32 $0xFFFFFFFF  }
0xa5: {  	s26 =	simm.s32 $execute0_lowered;
	[smem:$0x3FD2] =	sst s25  }
0xa6: {  	s5 =	sshll.u32 s26, $0x1;
	_ =	strace $0x80000046;
	[dreg:$0x1] =	wrdreg $0xFFFFFFFF  }
0xa7: {  	s28 =	simm.s32 $_size_execute0_lowered;
	s3 =	sadd.s32 s3, s5;
	[dreg:$0x0] =	wrdreg $0x0  }
0xa8: {  	s5 =	sshll.u32 s28, $0x1;
	[dreg:$0x2] =	wrdreg s3  }
0xa9: {  	[dreg:$0x3] =	wrdreg s5  }
0xaa: {  	[dreg:$0x4] =	wrdreg $0xC0  }
0xab: {  	_ =	task [dreg:s7], $0x5FFFF  }
0xac: {  	[dreg:$0x1] =	wrdreg $0xFFFFFFFF  }
0xad: {  	[dreg:$0x0] =	wrdreg $0x60  }
0xae: {  	[dreg:$0x2] =	wrdreg s24  }
0xaf: {  	[dreg:$0x3] =	wrdreg s2  }
0xb0: {  	[dreg:$0x4] =	wrdreg $0x9  }
0xb1: {  	_ =	task.clear_ibuf [dreg:s7], $0x5FFFF;
	_ =	strace $0x90000046  }
0xb2: {  	s29 =	simm.s32 $0x9;
	_ =	strace $0x80000048  }
0xb3: {  	_ =	swait.ge [sflag:s29], $0x1  }
0xb4: {  	[sflag:s29] =	ssyncadd.s32 $0xFFFFFFFF  }
0xb5: {  	_ =	strace $0x90000048  }
0xb6: {  	_ =	sfence  }
0xb7: {  	s30 =	sld [smem:$0x0];
	_ =	sdelay $0x2  }
0xb8: {  	s31 =	sshll.u32 s1, $0xD;
	s1 =	sshrl.u32 s1, $0x2  }
0xb9: {  	s3 =	sand.u32 $0x4000, s31;
	s1 =	sadd.s32 s1, s30  }
0xba: {  	s0 =	sor.u32 s3, s0;
	s1 =	sshll.u32 s1, $0x11  }
0xbb: {  	s0 =	sor.u32 s1, s0  }
0xbc: {  	s0 =	sadd.s32 $0x8F2B, s0  }
0xbd: {  	[sflag:s0] =	ssyncadd.remote.s32 $0x1  }
0xbe: {  	_ =	sfence.sel $0xFFFF  }
0xbf: {  	[dreg:$0x0] =	wrdreg $0xFFFFFFFF;
	(pc) =	sbr.abs _section_cstart, $3  }
0xc0: {  	[dreg:$0x1] =	wrdreg $0xFFFFFFFF  }
0xc1: {  	_ =	task.clear_ibuf [dreg:s7], $0x2FFFF;
	_ =	strace $0x9FFFFFFF  }
0xc2: {  	(tm) =	ssettm $0x7FFFFFFF  }
0xc3: {  	_ =	shalt  }
tec
execute0_lowered:
.L_overlay_start_1:
0x0: {  	(tag) =	ssettag $0x1  }
0x1: {  	s3 =	rddreg [dreg:$0x0];
	s1 =	srdreg.scid  }
0x2: {  	s0 =	stileid.u32;
	s5 =	rddreg [dreg:$0x1]  }
0x3: {  	s9 =	simm.s32 $0x80;
	s10 =	simm.s32 $0x400;
	s11 =	simm.s32 $0x0  }
0x4: {  	s4 =	sand.u32 $0x1, s1;
	s2 =	sshll.u32 s0, $0x1;
	s8 =	sshrl.u32 s0, $0x2  }
0x5: {  	s1 =	rddreg [dreg:$0x2];
	s6 =	sor.u32 s4, s2;
	s8 =	smul.u32 $0x13C00, s8  }
0x6: {  	s2 =	simm.s32 $0x0;
	s4 =	ssub.s32 $0x2, s4;
	s7 =	smul.u32 $0x4E2, s6  }
0x7: {  	[smem:$0x7FF] =	sst s2;
	s6 =	sshll.u32 s6, $0x7;
	s31 =	sshrl.u32 s4, $0x1  }
0x8: {  	_ =	strace $0x80000047;
	s6 =	sand.u32 $0x380, s6;
	s7 =	sadd.s32 s7, s3  }
0x9: {  	s6 =	sor.u32 s8, s6;
	s3 =	sadd.s32 $0x15C00, s3;
	s8 =	ssub.s32 s4, s31  }
0xa: {  	s6 =	sshrl.u32 s6, $0x3;
	s4 =	sadd.s32 $0xBE00, s7;
	s7 =	simm.s32 $0x2780  }
0xb: {  	v0 =	vimm.f32 $1.000000000e+00;
	s5 =	sadd.s32 s5, s6;
	s6 =	smax.u32 s8, $0x1;
	s8 =	simm.s32 $0x1  }
.LBB2_1:
0xc: {  	[tilespmem:s7], [sflag:$0x1] =	stream.linear.gather [hbm4b:s3+s2], $0x2780, $0x38;
	[tilespmem:$0x4F00] =	vst v63  }
0xd: {  	_ =	swait.ge [sflag:s8], $0x2780  }
0xe: {  	[sflag:s8] =	ssyncset.done $0x0  }
0xf: {  	[sflag:s8] =	ssyncadd.s32 $0xFFFFD880  }
0x10: {  	[tilespmem:s2], [sflag:$0x1] =	stream.linear.gather [hbm4b:s4+s2], $0x2710, $0x38;
	[tilespmem:$0x4F00] =	vst v63  }
0x11: {  	_ =	swait.ge [sflag:s8], $0x2710  }
0x12: {  	[sflag:s8] =	ssyncset.done $0x0  }
0x13: {  	s13 =	simm.s32 $0x0;
	s12 =	simm.s32 $0x40;
	[sflag:s8] =	ssyncadd.s32 $0xFFFFD8F0  }
.LBB2_2:
0x14: {  	p0 =	sne.s32 s12, $0x9C00;
	v1 =	vld [tilespmem:s13+$0x0];
	_ =	sdelay $0x3  }
.Ltmp0:
0x15: {  	(pc) =	sbr.rel @p0 .LBB2_2-.Ltmp0, $2  }
0x16: {  	_ =	sdelay $0x2  }
0x17: {  	s13 =	sshra.s32 s12, $0x2;
	s12 =	sadd.s32 $0x40, s12;
	[tilespmem:v1+s7+$0x0] =	vst.idx.add.f32.msk $0xffff, v0  }
0x18: {  	v1 =	vld [tilespmem:s13+$0x0];
	_ =	sdelay $0x5  }
0x19: {  	s11 =	sadd.s32 $0x1, s11  }
0x1a: {  	p0 =	sne.s32 s11, s6  }
.Ltmp1:
0x1b: {  	[tilespmem:v1+s7+$0x0] =	vst.idx.add.f32.msk $0xffff, v0;
	(pc) =	sbr.rel @p0 .LBB2_1-.Ltmp1, $4  }
0x1c: {  	[hbm4b:s5+s9] =	stream.strided.scatter [tilespmem:s7], [sflag:$0x1], $0x2780, s10, s9, $0x38;
	[tilespmem:$0x4F00] =	vst v63  }
0x1d: {  	_ =	swait.ge [sflag:s8], $0x2780  }
0x1e: {  	[sflag:s8] =	ssyncset.done $0x0  }
0x1f: {  	[sflag:s8] =	ssyncadd.s32 $0xFFFFD880  }
0x20: {  	_ =	sfence.sel $0x180000  }
0x21: {  	[bflag:$0x0] =	sbarrier.arrive $0xFFFF  }
0x22: {  	p0 =	sne.s32 s0, $0x0;
	_ =	strace $0x90000047  }
0x23: {  	s0 =	sadd.s32 @!p0 $0x100000, s1;
	[bflag:$0x2] =	sbarrier.arrive $0xFFFF  }
0x24: {  	[sflag:s0] =	ssyncadd.tile.s32 @!p0 $0x1;
	_ =	shalt  }
.Lfunc_end2:
_tile_overlayer_lowered:
.L_overlay_start_2:
0x25: {  	(tag) =	ssettag $0x2  }
0x26: {  	s0 =	rddreg [dreg:$0x0];
	s2 =	stileid.u32  }
0x27: {  	s1 =	rddreg [dreg:$0x1];
	p0 =	sne.s32 s2, $0x0  }
0x28: {  	s3 =	rddreg [dreg:$0x2];
	[bflag:$0x3] =	sbarrier.arrive $0xFFFF;
	s2 =	simm.s32 @!p0 $0x1C01  }
0x29: {  	[timem:s3], [sflag:s2] =	dma.local @!p0 [hbm:s0], s1  }
0x2a: {  	s0 =	simm.s32 @!p0 $0x1  }
0x2b: {  	_ =	swait.ge @!p0 [sflag:s0], s1  }
0x2c: {  	s1 =	ssub.s32 @!p0 $0x0, s1;
	[sflag:s0] =	ssyncset.done @!p0 $0x0  }
0x2d: {  	[sflag:s0] =	ssyncadd.s32 @!p0 s1  }
0x2e: {  	[bflag:$0x3] =	sbarrier.arrive $0xFFFF  }
0x2f: {  	_ =	shalt  }

</sc_bundles>
